<compile_context>
chip_gen: v7x
topology: tpu7x:2x2x1
jax: 0.10.2.dev20260603
libtpu: 0.0.44.dev20260713+nightly
codegen_flags: <defaults>
</compile_context>

<pallas_src>
import functools

import jax
import jax.numpy as jnp
from jax import lax
from jax.experimental import pallas as pl
from jax.experimental.pallas import tpu as pltpu
from jax.experimental.pallas import tpu_sc as plsc

N = 10000
E = 160000
D = 256
DE = 16

NC = 2
NS = 16
NW = NC * NS
CH = 128
EP = 163840
EPW = EP // NW
DH = D // 2
NP = 10240
ZROWS = NP // NS

_f32 = jnp.float32


def _proj_body(x_ref, wa_ref, wb_ref, pa_ref, pb_ref):
    xb = x_ref[...]
    pa_ref[...] = jnp.dot(xb, wa_ref[...], preferred_element_type=_f32)
    pb_ref[...] = jnp.dot(xb, wb_ref[...], preferred_element_type=_f32)


def _node_proj(x, wa, wb):
    BN = 2000
    return pl.pallas_call(
        _proj_body,
        grid=(N // BN,),
        in_specs=[
            pl.BlockSpec((BN, D), lambda i: (i, 0)),
            pl.BlockSpec((D, D), lambda i: (0, 0)),
            pl.BlockSpec((D, D), lambda i: (0, 0)),
        ],
        out_specs=[
            pl.BlockSpec((BN, D), lambda i: (i, 0)),
            pl.BlockSpec((BN, D), lambda i: (i, 0)),
        ],
        out_shape=[jax.ShapeDtypeStruct((N, D), _f32)] * 2,
    )(x, wa, wb)


def _msg_body(ga_ref, gb_ref, ea_ref, w1e_ref, b1_ref, w2_ref, b2_ref, m_ref):
    i = pl.program_id(0)
    be = ga_ref.shape[0]
    pre = (
        ga_ref[...]
        + gb_ref[...]
        + jnp.dot(ea_ref[...], w1e_ref[...], preferred_element_type=_f32)
        + b1_ref[...]
    )
    h = jnp.maximum(pre, 0.0)
    m = jnp.dot(h, w2_ref[...], preferred_element_type=_f32) + b2_ref[...]
    rowid = i * be + lax.broadcasted_iota(jnp.int32, (be, 1), 0)
    m_ref[...] = jnp.where(rowid < E, m, 0.0)


def _messages(ga, gb, ea, w1e, b1, w2, b2):
    BE = 2048
    return pl.pallas_call(
        _msg_body,
        grid=(EP // BE,),
        in_specs=[
            pl.BlockSpec((BE, D), lambda i: (i, 0)),
            pl.BlockSpec((BE, D), lambda i: (i, 0)),
            pl.BlockSpec((BE, DE), lambda i: (i, 0)),
            pl.BlockSpec((DE, D), lambda i: (0, 0)),
            pl.BlockSpec((1, D), lambda i: (0, 0)),
            pl.BlockSpec((D, D), lambda i: (0, 0)),
            pl.BlockSpec((1, D), lambda i: (0, 0)),
        ],
        out_specs=pl.BlockSpec((BE, D), lambda i: (i, 0)),
        out_shape=jax.ShapeDtypeStruct((EP, D), _f32),
    )(ga, gb, ea, w1e, b1, w2, b2)


def _upd_body(x_ref, ag_ref, wua_ref, wub_ref, b1_ref, w2_ref, b2_ref, o_ref):
    pre = (
        jnp.dot(x_ref[...], wua_ref[...], preferred_element_type=_f32)
        + jnp.dot(ag_ref[...], wub_ref[...], preferred_element_type=_f32)
        + b1_ref[...]
    )
    u = jnp.maximum(pre, 0.0)
    o_ref[...] = jnp.dot(u, w2_ref[...], preferred_element_type=_f32) + b2_ref[...]


def _update(x, aggr, wua, wub, b1, w2, b2):
    BN = 2000
    return pl.pallas_call(
        _upd_body,
        grid=(N // BN,),
        in_specs=[
            pl.BlockSpec((BN, D), lambda i: (i, 0)),
            pl.BlockSpec((BN, D), lambda i: (i, 0)),
            pl.BlockSpec((D, D), lambda i: (0, 0)),
            pl.BlockSpec((D, D), lambda i: (0, 0)),
            pl.BlockSpec((1, D), lambda i: (0, 0)),
            pl.BlockSpec((D, D), lambda i: (0, 0)),
            pl.BlockSpec((1, D), lambda i: (0, 0)),
        ],
        out_specs=pl.BlockSpec((BN, D), lambda i: (i, 0)),
        out_shape=jax.ShapeDtypeStruct((N, D), _f32),
    )(x, aggr, wua, wub, b1, w2, b2)


def _gather_body(pa_hbm, pb_hbm, row_hbm, col_hbm, ga_hbm, gb_hbm,
                 idxa_v, idxb_v, rowsa_v, rowsb_v, sem_a, sem_b):
    c = lax.axis_index("c")
    s = lax.axis_index("s")
    wid = s * NC + c
    base = wid * EPW

    def step(i, carry):
        off = base + i * CH
        pltpu.sync_copy(row_hbm.at[pl.ds(off, CH)], idxa_v)
        pltpu.sync_copy(col_hbm.at[pl.ds(off, CH)], idxb_v)
        cpa = pltpu.async_copy(pa_hbm.at[idxa_v], rowsa_v, sem_a)
        cpb = pltpu.async_copy(pb_hbm.at[idxb_v], rowsb_v, sem_b)
        cpa.wait()
        pltpu.sync_copy(rowsa_v, ga_hbm.at[pl.ds(off, CH)])
        cpb.wait()
        pltpu.sync_copy(rowsb_v, gb_hbm.at[pl.ds(off, CH)])
        return carry

    lax.fori_loop(0, EPW // CH, step, 0)


_sc_gather = functools.partial(
    pl.kernel,
    out_type=[jax.ShapeDtypeStruct((EP, D), _f32)] * 2,
    mesh=plsc.VectorSubcoreMesh(core_axis_name="c", subcore_axis_name="s"),
    scratch_types=[
        pltpu.VMEM((CH,), jnp.int32),
        pltpu.VMEM((CH,), jnp.int32),
        pltpu.VMEM((CH, D), _f32),
        pltpu.VMEM((CH, D), _f32),
        pltpu.SemaphoreType.DMA,
        pltpu.SemaphoreType.DMA,
    ],
)(_gather_body)


def _scatter_body(m_hbm, row_hbm, zero_hbm, aggr_hbm,
                  idx_v, m_v, shared):
    c = lax.axis_index("c")
    s = lax.axis_index("s")

    pltpu.sync_copy(zero_hbm, m_v)
    for k in range(ZROWS // CH):
        pltpu.sync_copy(m_v, shared.at[pl.ds(s * ZROWS + k * CH, CH)])
    plsc.subcore_barrier()

    nchunks = EP // CH // NS

    def step(i, carry):
        off = (s * nchunks + i) * CH
        pltpu.sync_copy(row_hbm.at[pl.ds(off, CH)], idx_v)
        pltpu.sync_copy(m_hbm.at[pl.ds(off, CH), pl.ds(c * DH, DH)], m_v)
        pltpu.sync_copy(m_v, shared.at[idx_v], add=True)
        return carry

    lax.fori_loop(0, nchunks, step, 0)
    plsc.subcore_barrier()

    pltpu.sync_copy(
        shared.at[pl.ds(s * ZROWS, ZROWS)],
        aggr_hbm.at[pl.ds(s * ZROWS, ZROWS), pl.ds(c * DH, DH)],
    )


_sc_scatter = functools.partial(
    pl.kernel,
    out_type=jax.ShapeDtypeStruct((NP, D), _f32),
    mesh=plsc.VectorSubcoreMesh(core_axis_name="c", subcore_axis_name="s"),
    scratch_types=[
        pltpu.VMEM((CH,), jnp.int32),
        pltpu.VMEM((CH, DH), _f32),
        pltpu.VMEM_SHARED((NP, DH), _f32),
    ],
)(_scatter_body)


def kernel(x, edge_index, edge_attr, W1m, b1m, W2m, b2m, W1u, b1u, W2u, b2u):
    row = edge_index[0].astype(jnp.int32)
    col = edge_index[1].astype(jnp.int32)
    rowp = jnp.pad(row, (0, EP - E))
    colp = jnp.pad(col, (0, EP - E))
    eap = jnp.pad(edge_attr, ((0, EP - E), (0, 0)))

    W1a, W1b, W1e = W1m[:D], W1m[D:2 * D], W1m[2 * D:]
    Wua, Wub = W1u[:D], W1u[D:]

    pa, pb = _node_proj(x, W1a, W1b)
    ga, gb = _sc_gather(pa, pb, rowp, colp)
    msgs = _messages(ga, gb, eap, W1e, b1m.reshape(1, D), W2m,
                     b2m.reshape(1, D))
    zero = jnp.zeros((CH, DH), _f32)
    aggr = _sc_scatter(msgs, rowp, zero)
    out = _update(x, aggr, Wua, Wub, b1u.reshape(1, D), W2u, b2u.reshape(1, D))
    return out

# --- scband reference (transcript-rebuilt; emitter-appended) ---
"""Pipeline reference for scband-edge-conditioned-conv-79534204388002 (READ-ONLY COPY).

The authoritative reference and input builder live on the scoring server;
editing this copy changes nothing except your own understanding.
"""

import jax, jax.numpy as jnp
import numpy as np

N = 10000
E = 160000
D = 256
DE = 16

def setup_inputs(seed: int = 0) -> dict:
    key = jax.random.key(seed)
    ks = jax.random.split(key, 12)
    x = jax.random.normal(ks[0], (N, D), dtype=jnp.float32)
    edge_index = jax.random.randint(ks[1], (2, E), 0, N, dtype=jnp.int64)
    edge_attr = jax.random.normal(ks[2], (E, DE), dtype=jnp.float32)
    # message_net: Linear(2*D+DE -> D), ReLU, Linear(D -> D)
    in1 = 2 * D + DE
    s1 = 1.0 / np.sqrt(in1)
    W1m = jax.random.uniform(ks[3], (in1, D), minval=-s1, maxval=s1, dtype=jnp.float32)
    b1m = jax.random.uniform(ks[4], (D,), minval=-s1, maxval=s1, dtype=jnp.float32)
    s2 = 1.0 / np.sqrt(D)
    W2m = jax.random.uniform(ks[5], (D, D), minval=-s2, maxval=s2, dtype=jnp.float32)
    b2m = jax.random.uniform(ks[6], (D,), minval=-s2, maxval=s2, dtype=jnp.float32)
    # update_net: Linear(D+D -> D), ReLU, Linear(D -> D)
    in2 = 2 * D
    s3 = 1.0 / np.sqrt(in2)
    W1u = jax.random.uniform(ks[7], (in2, D), minval=-s3, maxval=s3, dtype=jnp.float32)
    b1u = jax.random.uniform(ks[8], (D,), minval=-s3, maxval=s3, dtype=jnp.float32)
    W2u = jax.random.uniform(ks[9], (D, D), minval=-s2, maxval=s2, dtype=jnp.float32)
    b2u = jax.random.uniform(ks[10], (D,), minval=-s2, maxval=s2, dtype=jnp.float32)
    return {"x": x, "edge_index": edge_index, "edge_attr": edge_attr,
            "W1m": W1m, "b1m": b1m, "W2m": W2m, "b2m": b2m,
            "W1u": W1u, "b1u": b1u, "W2u": W2u, "b2u": b2u}

def reference(x, edge_index, edge_attr, W1m, b1m, W2m, b2m, W1u, b1u, W2u, b2u):
    row = edge_index[0]
    col = edge_index[1]
    msg_in = jnp.concatenate([x[row], x[col], edge_attr], axis=1)
    h = jax.nn.relu(msg_in @ W1m + b1m)
    messages = h @ W2m + b2m
    aggr = jnp.zeros_like(x).at[row].add(messages)
    upd_in = jnp.concatenate([x, aggr], axis=1)
    u = jax.nn.relu(upd_in @ W1u + b1u)
    out = u @ W2u + b2u
    return out

if __name__ == "__main__":
    import jax
    _d = setup_inputs()
    print(jax.jit(kernel)(*tuple(_d.values())))

</pallas_src>

<mosaic_0001>
#map = affine_map<(d0, d1) -> (0, 0)>
#map1 = affine_map<(d0, d1) -> (0)>
module attributes {stable_mosaic.version = 14 : i64} {
  func.func @_gather_body(%arg0: i32, %arg1: i32, %arg2: memref<10000x256xf32, #tpu.memory_space<hbm>>, %arg3: memref<10000x256xf32, #tpu.memory_space<hbm>>, %arg4: memref<163840xi32, #tpu.memory_space<hbm>>, %arg5: memref<163840xi32, #tpu.memory_space<hbm>>, %arg6: memref<163840x256xf32, #tpu.memory_space<hbm>>, %arg7: memref<163840x256xf32, #tpu.memory_space<hbm>>, %arg8: memref<128xi32, #tpu.memory_space<vmem>>, %arg9: memref<128xi32, #tpu.memory_space<vmem>>, %arg10: memref<128x256xf32, #tpu.memory_space<vmem>>, %arg11: memref<128x256xf32, #tpu.memory_space<vmem>>, %arg12: memref<!tpu.dma_semaphore, #tpu.memory_space<semaphore_mem>>, %arg13: memref<!tpu.dma_semaphore, #tpu.memory_space<semaphore_mem>>) attributes {dimension_semantics = [#tpu.dimension_semantics<core_parallel>, #tpu.dimension_semantics<subcore_parallel>], iteration_bounds = array<i64: 2, 16>, scalar_prefetch = 0 : i64, scratch_operands = 6 : i64, tpu.core_type = #tpu.core_type<sc_vector_subcore>, window_params = [{transform_indices = #map}, {transform_indices = #map}, {transform_indices = #map1}, {transform_indices = #map1}, {transform_indices = #map}, {transform_indices = #map}]} {
    %mul3A = arith.constant 2 : i32
    %mul3A_0 = arith.muli %arg1, %mul3A : i32
    %add3A = arith.addi %mul3A_0, %arg0 : i32
    %mul3A_1 = arith.constant 5120 : i32
    %mul3A_2 = arith.muli %add3A, %mul3A_1 : i32
    %scan3A = arith.constant 0 : i32
    %scan3A_3 = arith.constant 0 : i32
    %scan3A_4 = arith.constant 40 : i32
    %scan3A_5 = arith.addi %scan3A_3, %scan3A_4 : i32
    %scan3A_6 = arith.constant 1 : i32
    scf.for %scan3A_8 = %scan3A_3 to %scan3A_5 step %scan3A_6  : i32 {
      %mul3A_9 = arith.constant 128 : i32
      %mul3A_10 = arith.muli %scan3A_8, %mul3A_9 : i32
      %add3A_11 = arith.addi %mul3A_2, %mul3A_10 : i32
      "tpu.region"() ({
        %run_scoped3A = tpu.sem_alloc : memref<!tpu.dma_semaphore, #tpu.memory_space<semaphore_mem>>
        %dma_start3A_22 = tpu.memref_slice %arg4[%add3A_11] : memref<163840xi32, #tpu.memory_space<hbm>> -> memref<128xi32, #tpu.memory_space<hbm>>
        %dma_start3A_23 = tpu.memref_slice %arg4[%add3A_11] : memref<163840xi32, #tpu.memory_space<hbm>> -> memref<128xi32, #tpu.memory_space<hbm>>
        tpu.enqueue_dma source(%dma_start3A_23 : memref<128xi32, #tpu.memory_space<hbm>>) target(%arg8 : memref<128xi32, #tpu.memory_space<vmem>>) target_semaphore(%run_scoped3A : memref<!tpu.dma_semaphore, #tpu.memory_space<semaphore_mem>>)
        %dma_wait3A_24 = tpu.memref_slice %arg4[%add3A_11] : memref<163840xi32, #tpu.memory_space<hbm>> -> memref<128xi32, #tpu.memory_space<hbm>>
        %dma_wait3A_25 = tpu.memref_slice %arg4[%add3A_11] : memref<163840xi32, #tpu.memory_space<hbm>> -> memref<128xi32, #tpu.memory_space<hbm>>
        tpu.wait_dma2 semaphore(%run_scoped3A : memref<!tpu.dma_semaphore, #tpu.memory_space<semaphore_mem>>) src(%dma_wait3A_25 : memref<128xi32, #tpu.memory_space<hbm>>) dst(%arg8 : memref<128xi32, #tpu.memory_space<vmem>>)
        tpu.yield
      }) : () -> ()
      "tpu.region"() ({
        %run_scoped3A = tpu.sem_alloc : memref<!tpu.dma_semaphore, #tpu.memory_space<semaphore_mem>>
        %dma_start3A_22 = tpu.memref_slice %arg5[%add3A_11] : memref<163840xi32, #tpu.memory_space<hbm>> -> memref<128xi32, #tpu.memory_space<hbm>>
        %dma_start3A_23 = tpu.memref_slice %arg5[%add3A_11] : memref<163840xi32, #tpu.memory_space<hbm>> -> memref<128xi32, #tpu.memory_space<hbm>>
        tpu.enqueue_dma source(%dma_start3A_23 : memref<128xi32, #tpu.memory_space<hbm>>) target(%arg9 : memref<128xi32, #tpu.memory_space<vmem>>) target_semaphore(%run_scoped3A : memref<!tpu.dma_semaphore, #tpu.memory_space<semaphore_mem>>)
        %dma_wait3A_24 = tpu.memref_slice %arg5[%add3A_11] : memref<163840xi32, #tpu.memory_space<hbm>> -> memref<128xi32, #tpu.memory_space<hbm>>
        %dma_wait3A_25 = tpu.memref_slice %arg5[%add3A_11] : memref<163840xi32, #tpu.memory_space<hbm>> -> memref<128xi32, #tpu.memory_space<hbm>>
        tpu.wait_dma2 semaphore(%run_scoped3A : memref<!tpu.dma_semaphore, #tpu.memory_space<semaphore_mem>>) src(%dma_wait3A_25 : memref<128xi32, #tpu.memory_space<hbm>>) dst(%arg9 : memref<128xi32, #tpu.memory_space<vmem>>)
        tpu.yield
      }) : () -> ()
      %dma_start3A = arith.constant 0 : i32
      %dma_start3A_12 = arith.constant 0 : i32
      %dma_start3A_13 = tpu.memref_slice %arg2[%dma_start3A, %dma_start3A_12] : memref<10000x256xf32, #tpu.memory_space<hbm>> -> memref<10000x256xf32, #tpu.memory_space<hbm>>
      tpu.enqueue_indirect_dma source(%dma_start3A_13 : memref<10000x256xf32, #tpu.memory_space<hbm>>) target(%arg10 : memref<128x256xf32, #tpu.memory_space<vmem>>) offsets(%arg8 : memref<128xi32, #tpu.memory_space<vmem>>) semaphore(%arg12 : memref<!tpu.dma_semaphore, #tpu.memory_space<semaphore_mem>>)
      %dma_start3A_14 = arith.constant 0 : i32
      %dma_start3A_15 = arith.constant 0 : i32
      %dma_start3A_16 = tpu.memref_slice %arg3[%dma_start3A_14, %dma_start3A_15] : memref<10000x256xf32, #tpu.memory_space<hbm>> -> memref<10000x256xf32, #tpu.memory_space<hbm>>
      tpu.enqueue_indirect_dma source(%dma_start3A_16 : memref<10000x256xf32, #tpu.memory_space<hbm>>) target(%arg11 : memref<128x256xf32, #tpu.memory_space<vmem>>) offsets(%arg9 : memref<128xi32, #tpu.memory_space<vmem>>) semaphore(%arg13 : memref<!tpu.dma_semaphore, #tpu.memory_space<semaphore_mem>>)
      %dma_wait3A = arith.constant 0 : i32
      %dma_wait3A_17 = arith.constant 0 : i32
      %dma_wait3A_18 = tpu.memref_slice %arg2[%dma_wait3A, %dma_wait3A_17] : memref<10000x256xf32, #tpu.memory_space<hbm>> -> memref<10000x256xf32, #tpu.memory_space<hbm>>
      tpu.wait_indirect_dma semaphore(%arg12 : memref<!tpu.dma_semaphore, #tpu.memory_space<semaphore_mem>>) src(%dma_wait3A_18 : memref<10000x256xf32, #tpu.memory_space<hbm>>) dst(%arg10 : memref<128x256xf32, #tpu.memory_space<vmem>>)
      "tpu.region"() ({
        %run_scoped3A = tpu.sem_alloc : memref<!tpu.dma_semaphore, #tpu.memory_space<semaphore_mem>>
        %dma_start3A_22 = arith.constant 0 : i32
        %dma_start3A_23 = tpu.memref_slice %arg6[%add3A_11, %dma_start3A_22] : memref<163840x256xf32, #tpu.memory_space<hbm>> -> memref<128x256xf32, #tpu.memory_space<hbm>>
        %dma_start3A_24 = arith.constant 0 : i32
        %dma_start3A_25 = tpu.memref_slice %arg6[%add3A_11, %dma_start3A_24] : memref<163840x256xf32, #tpu.memory_space<hbm>> -> memref<128x256xf32, #tpu.memory_space<hbm>>
        tpu.enqueue_dma source(%arg10 : memref<128x256xf32, #tpu.memory_space<vmem>>) target(%dma_start3A_25 : memref<128x256xf32, #tpu.memory_space<hbm>>) target_semaphore(%run_scoped3A : memref<!tpu.dma_semaphore, #tpu.memory_space<semaphore_mem>>)
        %dma_wait3A_26 = arith.constant 0 : i32
        %dma_wait3A_27 = tpu.memref_slice %arg6[%add3A_11, %dma_wait3A_26] : memref<163840x256xf32, #tpu.memory_space<hbm>> -> memref<128x256xf32, #tpu.memory_space<hbm>>
        %dma_wait3A_28 = arith.constant 0 : i32
        %dma_wait3A_29 = tpu.memref_slice %arg6[%add3A_11, %dma_wait3A_28] : memref<163840x256xf32, #tpu.memory_space<hbm>> -> memref<128x256xf32, #tpu.memory_space<hbm>>
        tpu.wait_dma2 semaphore(%run_scoped3A : memref<!tpu.dma_semaphore, #tpu.memory_space<semaphore_mem>>) src(%arg10 : memref<128x256xf32, #tpu.memory_space<vmem>>) dst(%dma_wait3A_29 : memref<128x256xf32, #tpu.memory_space<hbm>>)
        tpu.yield
      }) : () -> ()
      %dma_wait3A_19 = arith.constant 0 : i32
      %dma_wait3A_20 = arith.constant 0 : i32
      %dma_wait3A_21 = tpu.memref_slice %arg3[%dma_wait3A_19, %dma_wait3A_20] : memref<10000x256xf32, #tpu.memory_space<hbm>> -> memref<10000x256xf32, #tpu.memory_space<hbm>>
      tpu.wait_indirect_dma semaphore(%arg13 : memref<!tpu.dma_semaphore, #tpu.memory_space<semaphore_mem>>) src(%dma_wait3A_21 : memref<10000x256xf32, #tpu.memory_space<hbm>>) dst(%arg11 : memref<128x256xf32, #tpu.memory_space<vmem>>)
      "tpu.region"() ({
        %run_scoped3A = tpu.sem_alloc : memref<!tpu.dma_semaphore, #tpu.memory_space<semaphore_mem>>
        %dma_start3A_22 = arith.constant 0 : i32
        %dma_start3A_23 = tpu.memref_slice %arg7[%add3A_11, %dma_start3A_22] : memref<163840x256xf32, #tpu.memory_space<hbm>> -> memref<128x256xf32, #tpu.memory_space<hbm>>
        %dma_start3A_24 = arith.constant 0 : i32
        %dma_start3A_25 = tpu.memref_slice %arg7[%add3A_11, %dma_start3A_24] : memref<163840x256xf32, #tpu.memory_space<hbm>> -> memref<128x256xf32, #tpu.memory_space<hbm>>
        tpu.enqueue_dma source(%arg11 : memref<128x256xf32, #tpu.memory_space<vmem>>) target(%dma_start3A_25 : memref<128x256xf32, #tpu.memory_space<hbm>>) target_semaphore(%run_scoped3A : memref<!tpu.dma_semaphore, #tpu.memory_space<semaphore_mem>>)
        %dma_wait3A_26 = arith.constant 0 : i32
        %dma_wait3A_27 = tpu.memref_slice %arg7[%add3A_11, %dma_wait3A_26] : memref<163840x256xf32, #tpu.memory_space<hbm>> -> memref<128x256xf32, #tpu.memory_space<hbm>>
        %dma_wait3A_28 = arith.constant 0 : i32
        %dma_wait3A_29 = tpu.memref_slice %arg7[%add3A_11, %dma_wait3A_28] : memref<163840x256xf32, #tpu.memory_space<hbm>> -> memref<128x256xf32, #tpu.memory_space<hbm>>
        tpu.wait_dma2 semaphore(%run_scoped3A : memref<!tpu.dma_semaphore, #tpu.memory_space<semaphore_mem>>) src(%arg11 : memref<128x256xf32, #tpu.memory_space<vmem>>) dst(%dma_wait3A_29 : memref<128x256xf32, #tpu.memory_space<hbm>>)
        tpu.yield
      }) : () -> ()
    }
    %scan3A_7 = arith.constant 40 : i32
    return
  }
}

#map = affine_map<(d0, d1) -> (0, 0)>
#map1 = affine_map<(d0, d1) -> (0)>
module attributes {stable_mosaic.version = 14 : i64} {
  func.func @_scatter_body(%arg0: i32, %arg1: i32, %arg2: memref<163840x256xf32, #tpu.memory_space<hbm>>, %arg3: memref<163840xi32, #tpu.memory_space<hbm>>, %arg4: memref<128x128xf32, #tpu.memory_space<hbm>>, %arg5: memref<10240x256xf32, #tpu.memory_space<hbm>>, %arg6: memref<128xi32, #tpu.memory_space<vmem>>, %arg7: memref<128x128xf32, #tpu.memory_space<vmem>>, %arg8: memref<10240x128xf32, #tpu.memory_space<vmem_shared>>) attributes {dimension_semantics = [#tpu.dimension_semantics<core_parallel>, #tpu.dimension_semantics<subcore_parallel>], iteration_bounds = array<i64: 2, 16>, scalar_prefetch = 0 : i64, scratch_operands = 3 : i64, tpu.core_type = #tpu.core_type<sc_vector_subcore>, window_params = [{transform_indices = #map}, {transform_indices = #map1}, {transform_indices = #map}, {transform_indices = #map}]} {
    "tpu.region"() ({
      %run_scoped3A = tpu.sem_alloc : memref<!tpu.dma_semaphore, #tpu.memory_space<semaphore_mem>>
      tpu.enqueue_dma source(%arg4 : memref<128x128xf32, #tpu.memory_space<hbm>>) target(%arg7 : memref<128x128xf32, #tpu.memory_space<vmem>>) target_semaphore(%run_scoped3A : memref<!tpu.dma_semaphore, #tpu.memory_space<semaphore_mem>>)
      tpu.wait_dma2 semaphore(%run_scoped3A : memref<!tpu.dma_semaphore, #tpu.memory_space<semaphore_mem>>) src(%arg4 : memref<128x128xf32, #tpu.memory_space<hbm>>) dst(%arg7 : memref<128x128xf32, #tpu.memory_space<vmem>>)
      tpu.yield
    }) : () -> ()
    %mul3A = arith.constant 640 : i32
    %mul3A_0 = arith.muli %arg1, %mul3A : i32
    %add3A = arith.constant 0 : i32
    %add3A_1 = arith.addi %mul3A_0, %add3A : i32
    "tpu.region"() ({
      %run_scoped3A = tpu.sem_alloc : memref<!tpu.dma_semaphore, #tpu.memory_space<semaphore_mem>>
      %dma_start3A = arith.constant 0 : i32
      %dma_start3A_30 = tpu.memref_slice %arg8[%add3A_1, %dma_start3A] : memref<10240x128xf32, #tpu.memory_space<vmem_shared>> -> memref<128x128xf32, #tpu.memory_space<vmem_shared>>
      %dma_start3A_31 = arith.constant 0 : i32
      %dma_start3A_32 = tpu.memref_slice %arg8[%add3A_1, %dma_start3A_31] : memref<10240x128xf32, #tpu.memory_space<vmem_shared>> -> memref<128x128xf32, #tpu.memory_space<vmem_shared>>
      tpu.enqueue_dma source(%arg7 : memref<128x128xf32, #tpu.memory_space<vmem>>) target(%dma_start3A_32 : memref<128x128xf32, #tpu.memory_space<vmem_shared>>) target_semaphore(%run_scoped3A : memref<!tpu.dma_semaphore, #tpu.memory_space<semaphore_mem>>)
      %dma_wait3A = arith.constant 0 : i32
      %dma_wait3A_33 = tpu.memref_slice %arg8[%add3A_1, %dma_wait3A] : memref<10240x128xf32, #tpu.memory_space<vmem_shared>> -> memref<128x128xf32, #tpu.memory_space<vmem_shared>>
      %dma_wait3A_34 = arith.constant 0 : i32
      %dma_wait3A_35 = tpu.memref_slice %arg8[%add3A_1, %dma_wait3A_34] : memref<10240x128xf32, #tpu.memory_space<vmem_shared>> -> memref<128x128xf32, #tpu.memory_space<vmem_shared>>
      tpu.wait_dma2 semaphore(%run_scoped3A : memref<!tpu.dma_semaphore, #tpu.memory_space<semaphore_mem>>) src(%arg7 : memref<128x128xf32, #tpu.memory_space<vmem>>) dst(%dma_wait3A_35 : memref<128x128xf32, #tpu.memory_space<vmem_shared>>)
      tpu.yield
    }) : () -> ()
    %mul3A_2 = arith.constant 640 : i32
    %mul3A_3 = arith.muli %arg1, %mul3A_2 : i32
    %add3A_4 = arith.constant 128 : i32
    %add3A_5 = arith.addi %mul3A_3, %add3A_4 : i32
    "tpu.region"() ({
      %run_scoped3A = tpu.sem_alloc : memref<!tpu.dma_semaphore, #tpu.memory_space<semaphore_mem>>
      %dma_start3A = arith.constant 0 : i32
      %dma_start3A_30 = tpu.memref_slice %arg8[%add3A_5, %dma_start3A] : memref<10240x128xf32, #tpu.memory_space<vmem_shared>> -> memref<128x128xf32, #tpu.memory_space<vmem_shared>>
      %dma_start3A_31 = arith.constant 0 : i32
      %dma_start3A_32 = tpu.memref_slice %arg8[%add3A_5, %dma_start3A_31] : memref<10240x128xf32, #tpu.memory_space<vmem_shared>> -> memref<128x128xf32, #tpu.memory_space<vmem_shared>>
      tpu.enqueue_dma source(%arg7 : memref<128x128xf32, #tpu.memory_space<vmem>>) target(%dma_start3A_32 : memref<128x128xf32, #tpu.memory_space<vmem_shared>>) target_semaphore(%run_scoped3A : memref<!tpu.dma_semaphore, #tpu.memory_space<semaphore_mem>>)
      %dma_wait3A = arith.constant 0 : i32
      %dma_wait3A_33 = tpu.memref_slice %arg8[%add3A_5, %dma_wait3A] : memref<10240x128xf32, #tpu.memory_space<vmem_shared>> -> memref<128x128xf32, #tpu.memory_space<vmem_shared>>
      %dma_wait3A_34 = arith.constant 0 : i32
      %dma_wait3A_35 = tpu.memref_slice %arg8[%add3A_5, %dma_wait3A_34] : memref<10240x128xf32, #tpu.memory_space<vmem_shared>> -> memref<128x128xf32, #tpu.memory_space<vmem_shared>>
      tpu.wait_dma2 semaphore(%run_scoped3A : memref<!tpu.dma_semaphore, #tpu.memory_space<semaphore_mem>>) src(%arg7 : memref<128x128xf32, #tpu.memory_space<vmem>>) dst(%dma_wait3A_35 : memref<128x128xf32, #tpu.memory_space<vmem_shared>>)
      tpu.yield
    }) : () -> ()
    %mul3A_6 = arith.constant 640 : i32
    %mul3A_7 = arith.muli %arg1, %mul3A_6 : i32
    %add3A_8 = arith.constant 256 : i32
    %add3A_9 = arith.addi %mul3A_7, %add3A_8 : i32
    "tpu.region"() ({
      %run_scoped3A = tpu.sem_alloc : memref<!tpu.dma_semaphore, #tpu.memory_space<semaphore_mem>>
      %dma_start3A = arith.constant 0 : i32
      %dma_start3A_30 = tpu.memref_slice %arg8[%add3A_9, %dma_start3A] : memref<10240x128xf32, #tpu.memory_space<vmem_shared>> -> memref<128x128xf32, #tpu.memory_space<vmem_shared>>
      %dma_start3A_31 = arith.constant 0 : i32
      %dma_start3A_32 = tpu.memref_slice %arg8[%add3A_9, %dma_start3A_31] : memref<10240x128xf32, #tpu.memory_space<vmem_shared>> -> memref<128x128xf32, #tpu.memory_space<vmem_shared>>
      tpu.enqueue_dma source(%arg7 : memref<128x128xf32, #tpu.memory_space<vmem>>) target(%dma_start3A_32 : memref<128x128xf32, #tpu.memory_space<vmem_shared>>) target_semaphore(%run_scoped3A : memref<!tpu.dma_semaphore, #tpu.memory_space<semaphore_mem>>)
      %dma_wait3A = arith.constant 0 : i32
      %dma_wait3A_33 = tpu.memref_slice %arg8[%add3A_9, %dma_wait3A] : memref<10240x128xf32, #tpu.memory_space<vmem_shared>> -> memref<128x128xf32, #tpu.memory_space<vmem_shared>>
      %dma_wait3A_34 = arith.constant 0 : i32
      %dma_wait3A_35 = tpu.memref_slice %arg8[%add3A_9, %dma_wait3A_34] : memref<10240x128xf32, #tpu.memory_space<vmem_shared>> -> memref<128x128xf32, #tpu.memory_space<vmem_shared>>
      tpu.wait_dma2 semaphore(%run_scoped3A : memref<!tpu.dma_semaphore, #tpu.memory_space<semaphore_mem>>) src(%arg7 : memref<128x128xf32, #tpu.memory_space<vmem>>) dst(%dma_wait3A_35 : memref<128x128xf32, #tpu.memory_space<vmem_shared>>)
      tpu.yield
    }) : () -> ()
    %mul3A_10 = arith.constant 640 : i32
    %mul3A_11 = arith.muli %arg1, %mul3A_10 : i32
    %add3A_12 = arith.constant 384 : i32
    %add3A_13 = arith.addi %mul3A_11, %add3A_12 : i32
    "tpu.region"() ({
      %run_scoped3A = tpu.sem_alloc : memref<!tpu.dma_semaphore, #tpu.memory_space<semaphore_mem>>
      %dma_start3A = arith.constant 0 : i32
      %dma_start3A_30 = tpu.memref_slice %arg8[%add3A_13, %dma_start3A] : memref<10240x128xf32, #tpu.memory_space<vmem_shared>> -> memref<128x128xf32, #tpu.memory_space<vmem_shared>>
      %dma_start3A_31 = arith.constant 0 : i32
      %dma_start3A_32 = tpu.memref_slice %arg8[%add3A_13, %dma_start3A_31] : memref<10240x128xf32, #tpu.memory_space<vmem_shared>> -> memref<128x128xf32, #tpu.memory_space<vmem_shared>>
      tpu.enqueue_dma source(%arg7 : memref<128x128xf32, #tpu.memory_space<vmem>>) target(%dma_start3A_32 : memref<128x128xf32, #tpu.memory_space<vmem_shared>>) target_semaphore(%run_scoped3A : memref<!tpu.dma_semaphore, #tpu.memory_space<semaphore_mem>>)
      %dma_wait3A = arith.constant 0 : i32
      %dma_wait3A_33 = tpu.memref_slice %arg8[%add3A_13, %dma_wait3A] : memref<10240x128xf32, #tpu.memory_space<vmem_shared>> -> memref<128x128xf32, #tpu.memory_space<vmem_shared>>
      %dma_wait3A_34 = arith.constant 0 : i32
      %dma_wait3A_35 = tpu.memref_slice %arg8[%add3A_13, %dma_wait3A_34] : memref<10240x128xf32, #tpu.memory_space<vmem_shared>> -> memref<128x128xf32, #tpu.memory_space<vmem_shared>>
      tpu.wait_dma2 semaphore(%run_scoped3A : memref<!tpu.dma_semaphore, #tpu.memory_space<semaphore_mem>>) src(%arg7 : memref<128x128xf32, #tpu.memory_space<vmem>>) dst(%dma_wait3A_35 : memref<128x128xf32, #tpu.memory_space<vmem_shared>>)
      tpu.yield
    }) : () -> ()
    %mul3A_14 = arith.constant 640 : i32
    %mul3A_15 = arith.muli %arg1, %mul3A_14 : i32
    %add3A_16 = arith.constant 512 : i32
    %add3A_17 = arith.addi %mul3A_15, %add3A_16 : i32
    "tpu.region"() ({
      %run_scoped3A = tpu.sem_alloc : memref<!tpu.dma_semaphore, #tpu.memory_space<semaphore_mem>>
      %dma_start3A = arith.constant 0 : i32
      %dma_start3A_30 = tpu.memref_slice %arg8[%add3A_17, %dma_start3A] : memref<10240x128xf32, #tpu.memory_space<vmem_shared>> -> memref<128x128xf32, #tpu.memory_space<vmem_shared>>
      %dma_start3A_31 = arith.constant 0 : i32
      %dma_start3A_32 = tpu.memref_slice %arg8[%add3A_17, %dma_start3A_31] : memref<10240x128xf32, #tpu.memory_space<vmem_shared>> -> memref<128x128xf32, #tpu.memory_space<vmem_shared>>
      tpu.enqueue_dma source(%arg7 : memref<128x128xf32, #tpu.memory_space<vmem>>) target(%dma_start3A_32 : memref<128x128xf32, #tpu.memory_space<vmem_shared>>) target_semaphore(%run_scoped3A : memref<!tpu.dma_semaphore, #tpu.memory_space<semaphore_mem>>)
      %dma_wait3A = arith.constant 0 : i32
      %dma_wait3A_33 = tpu.memref_slice %arg8[%add3A_17, %dma_wait3A] : memref<10240x128xf32, #tpu.memory_space<vmem_shared>> -> memref<128x128xf32, #tpu.memory_space<vmem_shared>>
      %dma_wait3A_34 = arith.constant 0 : i32
      %dma_wait3A_35 = tpu.memref_slice %arg8[%add3A_17, %dma_wait3A_34] : memref<10240x128xf32, #tpu.memory_space<vmem_shared>> -> memref<128x128xf32, #tpu.memory_space<vmem_shared>>
      tpu.wait_dma2 semaphore(%run_scoped3A : memref<!tpu.dma_semaphore, #tpu.memory_space<semaphore_mem>>) src(%arg7 : memref<128x128xf32, #tpu.memory_space<vmem>>) dst(%dma_wait3A_35 : memref<128x128xf32, #tpu.memory_space<vmem_shared>>)
      tpu.yield
    }) : () -> ()
    %barrier3A = arith.constant 0 : index
    tpu.barrier barrier_id(%barrier3A)
    %scan3A = arith.constant 0 : i32
    %scan3A_18 = arith.constant 0 : i32
    %scan3A_19 = arith.constant 80 : i32
    %scan3A_20 = arith.addi %scan3A_18, %scan3A_19 : i32
    %scan3A_21 = arith.constant 1 : i32
    scf.for %scan3A_30 = %scan3A_18 to %scan3A_20 step %scan3A_21  : i32 {
      %mul3A_31 = arith.constant 80 : i32
      %mul3A_32 = arith.muli %arg1, %mul3A_31 : i32
      %add3A_33 = arith.addi %mul3A_32, %scan3A_30 : i32
      %mul3A_34 = arith.constant 128 : i32
      %mul3A_35 = arith.muli %add3A_33, %mul3A_34 : i32
      "tpu.region"() ({
        %run_scoped3A = tpu.sem_alloc : memref<!tpu.dma_semaphore, #tpu.memory_space<semaphore_mem>>
        %dma_start3A = tpu.memref_slice %arg3[%mul3A_35] : memref<163840xi32, #tpu.memory_space<hbm>> -> memref<128xi32, #tpu.memory_space<hbm>>
        %dma_start3A_38 = tpu.memref_slice %arg3[%mul3A_35] : memref<163840xi32, #tpu.memory_space<hbm>> -> memref<128xi32, #tpu.memory_space<hbm>>
        tpu.enqueue_dma source(%dma_start3A_38 : memref<128xi32, #tpu.memory_space<hbm>>) target(%arg6 : memref<128xi32, #tpu.memory_space<vmem>>) target_semaphore(%run_scoped3A : memref<!tpu.dma_semaphore, #tpu.memory_space<semaphore_mem>>)
        %dma_wait3A = tpu.memref_slice %arg3[%mul3A_35] : memref<163840xi32, #tpu.memory_space<hbm>> -> memref<128xi32, #tpu.memory_space<hbm>>
        %dma_wait3A_39 = tpu.memref_slice %arg3[%mul3A_35] : memref<163840xi32, #tpu.memory_space<hbm>> -> memref<128xi32, #tpu.memory_space<hbm>>
        tpu.wait_dma2 semaphore(%run_scoped3A : memref<!tpu.dma_semaphore, #tpu.memory_space<semaphore_mem>>) src(%dma_wait3A_39 : memref<128xi32, #tpu.memory_space<hbm>>) dst(%arg6 : memref<128xi32, #tpu.memory_space<vmem>>)
        tpu.yield
      }) : () -> ()
      %mul3A_36 = arith.constant 128 : i32
      %mul3A_37 = arith.muli %arg0, %mul3A_36 : i32
      "tpu.region"() ({
        %run_scoped3A = tpu.sem_alloc : memref<!tpu.dma_semaphore, #tpu.memory_space<semaphore_mem>>
        %dma_start3A = tpu.memref_slice %arg2[%mul3A_35, %mul3A_37] : memref<163840x256xf32, #tpu.memory_space<hbm>> -> memref<128x128xf32, #tpu.memory_space<hbm>>
        %dma_start3A_38 = tpu.memref_slice %arg2[%mul3A_35, %mul3A_37] : memref<163840x256xf32, #tpu.memory_space<hbm>> -> memref<128x128xf32, #tpu.memory_space<hbm>>
        tpu.enqueue_dma source(%dma_start3A_38 : memref<128x128xf32, #tpu.memory_space<hbm>>) target(%arg7 : memref<128x128xf32, #tpu.memory_space<vmem>>) target_semaphore(%run_scoped3A : memref<!tpu.dma_semaphore, #tpu.memory_space<semaphore_mem>>)
        %dma_wait3A = tpu.memref_slice %arg2[%mul3A_35, %mul3A_37] : memref<163840x256xf32, #tpu.memory_space<hbm>> -> memref<128x128xf32, #tpu.memory_space<hbm>>
        %dma_wait3A_39 = tpu.memref_slice %arg2[%mul3A_35, %mul3A_37] : memref<163840x256xf32, #tpu.memory_space<hbm>> -> memref<128x128xf32, #tpu.memory_space<hbm>>
        tpu.wait_dma2 semaphore(%run_scoped3A : memref<!tpu.dma_semaphore, #tpu.memory_space<semaphore_mem>>) src(%dma_wait3A_39 : memref<128x128xf32, #tpu.memory_space<hbm>>) dst(%arg7 : memref<128x128xf32, #tpu.memory_space<vmem>>)
        tpu.yield
      }) : () -> ()
      "tpu.region"() ({
        %run_scoped3A = tpu.sem_alloc : memref<!tpu.dma_semaphore, #tpu.memory_space<semaphore_mem>>
        %dma_start3A = arith.constant 0 : i32
        %dma_start3A_38 = arith.constant 0 : i32
        %dma_start3A_39 = tpu.memref_slice %arg8[%dma_start3A, %dma_start3A_38] : memref<10240x128xf32, #tpu.memory_space<vmem_shared>> -> memref<10240x128xf32, #tpu.memory_space<vmem_shared>>
        tpu.enqueue_indirect_dma source(%arg7 : memref<128x128xf32, #tpu.memory_space<vmem>>) target(%dma_start3A_39 : memref<10240x128xf32, #tpu.memory_space<vmem_shared>>) offsets(%arg6 : memref<128xi32, #tpu.memory_space<vmem>>) semaphore(%run_scoped3A : memref<!tpu.dma_semaphore, #tpu.memory_space<semaphore_mem>>) {add = true}
        %dma_wait3A = arith.constant 0 : i32
        %dma_wait3A_40 = arith.constant 0 : i32
        %dma_wait3A_41 = tpu.memref_slice %arg8[%dma_wait3A, %dma_wait3A_40] : memref<10240x128xf32, #tpu.memory_space<vmem_shared>> -> memref<10240x128xf32, #tpu.memory_space<vmem_shared>>
        tpu.wait_indirect_dma semaphore(%run_scoped3A : memref<!tpu.dma_semaphore, #tpu.memory_space<semaphore_mem>>) src(%arg7 : memref<128x128xf32, #tpu.memory_space<vmem>>) dst(%dma_wait3A_41 : memref<10240x128xf32, #tpu.memory_space<vmem_shared>>)
        tpu.yield
      }) : () -> ()
    }
    %scan3A_22 = arith.constant 80 : i32
    %barrier3A_23 = arith.constant 0 : index
    tpu.barrier barrier_id(%barrier3A_23)
    %mul3A_24 = arith.constant 640 : i32
    %mul3A_25 = arith.muli %arg1, %mul3A_24 : i32
    %mul3A_26 = arith.constant 640 : i32
    %mul3A_27 = arith.muli %arg1, %mul3A_26 : i32
    %mul3A_28 = arith.constant 128 : i32
    %mul3A_29 = arith.muli %arg0, %mul3A_28 : i32
    "tpu.region"() ({
      %run_scoped3A = tpu.sem_alloc : memref<!tpu.dma_semaphore, #tpu.memory_space<semaphore_mem>>
      %dma_start3A = tpu.memref_slice %arg5[%mul3A_27, %mul3A_29] : memref<10240x256xf32, #tpu.memory_space<hbm>> -> memref<640x128xf32, #tpu.memory_space<hbm>>
      %dma_start3A_30 = arith.constant 0 : i32
      %dma_start3A_31 = tpu.memref_slice %arg8[%mul3A_25, %dma_start3A_30] : memref<10240x128xf32, #tpu.memory_space<vmem_shared>> -> memref<640x128xf32, #tpu.memory_space<vmem_shared>>
      tpu.enqueue_dma source(%dma_start3A_31 : memref<640x128xf32, #tpu.memory_space<vmem_shared>>) target(%dma_start3A : memref<640x128xf32, #tpu.memory_space<hbm>>) target_semaphore(%run_scoped3A : memref<!tpu.dma_semaphore, #tpu.memory_space<semaphore_mem>>)
      %dma_wait3A = tpu.memref_slice %arg5[%mul3A_27, %mul3A_29] : memref<10240x256xf32, #tpu.memory_space<hbm>> -> memref<640x128xf32, #tpu.memory_space<hbm>>
      %dma_wait3A_32 = arith.constant 0 : i32
      %dma_wait3A_33 = tpu.memref_slice %arg8[%mul3A_25, %dma_wait3A_32] : memref<10240x128xf32, #tpu.memory_space<vmem_shared>> -> memref<640x128xf32, #tpu.memory_space<vmem_shared>>
      tpu.wait_dma2 semaphore(%run_scoped3A : memref<!tpu.dma_semaphore, #tpu.memory_space<semaphore_mem>>) src(%dma_wait3A_33 : memref<640x128xf32, #tpu.memory_space<vmem_shared>>) dst(%dma_wait3A : memref<640x128xf32, #tpu.memory_space<hbm>>)
      tpu.yield
    }) : () -> ()
    return
  }
}

module attributes {stable_mosaic.version = 14 : i64} {
  func.func @_proj_body(%arg0: i32, %arg1: memref<2000x256xf32, #tpu.memory_space<vmem>>, %arg2: memref<256x256xf32, #tpu.memory_space<vmem>>, %arg3: memref<256x256xf32, #tpu.memory_space<vmem>>, %arg4: memref<2000x256xf32, #tpu.memory_space<vmem>>, %arg5: memref<2000x256xf32, #tpu.memory_space<vmem>>) attributes {dimension_semantics = [#tpu.dimension_semantics<arbitrary>], iteration_bounds = array<i64: 5>, scalar_prefetch = 0 : i64, scratch_operands = 0 : i64, tpu.core_type = #tpu.core_type<tc>, window_params = [{transform_indices = @transform_0, window_bounds = array<i64: 2000, 256>}, {pipeline_mode = #tpu.pipeline_mode<synchronous>, transform_indices = @transform_1, window_bounds = array<i64: 256, 256>}, {pipeline_mode = #tpu.pipeline_mode<synchronous>, transform_indices = @transform_2, window_bounds = array<i64: 256, 256>}, {transform_indices = @transform_3, window_bounds = array<i64: 2000, 256>}, {transform_indices = @transform_4, window_bounds = array<i64: 2000, 256>}]} {
    %get3A = arith.constant 0 : index
    %get3A_0 = arith.constant 0 : index
    %get3A_1 = vector.load %arg1[%get3A, %get3A_0] : memref<2000x256xf32, #tpu.memory_space<vmem>>, vector<2000x256xf32>
    %get3A_2 = arith.constant 0 : index
    %get3A_3 = arith.constant 0 : index
    %get3A_4 = vector.load %arg2[%get3A_2, %get3A_3] : memref<256x256xf32, #tpu.memory_space<vmem>>, vector<256x256xf32>
    %dot_general3A = arith.constant dense<0.000000e+00> : vector<2000x256xf32>
    %dot_general3A_5 = tpu.matmul %get3A_1, %get3A_4, %dot_general3A {dimension_numbers = #tpu.dot_dimension_numbers<[1], [0], [0], [1], [0, 0, 1, 1], [], []>, transpose_lhs_hint = false} : vector<2000x256xf32>, vector<256x256xf32>, vector<2000x256xf32> -> vector<2000x256xf32>
    %swap3A = arith.constant 0 : index
    %swap3A_6 = arith.constant 0 : index
    %swap3A_7 = vector.load %arg4[%swap3A, %swap3A_6] : memref<2000x256xf32, #tpu.memory_space<vmem>>, vector<2000x256xf32>
    tpu.vector_store %arg4[%swap3A, %swap3A_6], %dot_general3A_5 {strides = array<i32>} : memref<2000x256xf32, #tpu.memory_space<vmem>>, vector<2000x256xf32>,
    %get3A_8 = arith.constant 0 : index
    %get3A_9 = arith.constant 0 : index
    %get3A_10 = vector.load %arg3[%get3A_8, %get3A_9] : memref<256x256xf32, #tpu.memory_space<vmem>>, vector<256x256xf32>
    %dot_general3A_11 = arith.constant dense<0.000000e+00> : vector<2000x256xf32>
    %dot_general3A_12 = tpu.matmul %get3A_1, %get3A_10, %dot_general3A_11 {dimension_numbers = #tpu.dot_dimension_numbers<[1], [0], [0], [1], [0, 0, 1, 1], [], []>, transpose_lhs_hint = false} : vector<2000x256xf32>, vector<256x256xf32>, vector<2000x256xf32> -> vector<2000x256xf32>
    %swap3A_13 = arith.constant 0 : index
    %swap3A_14 = arith.constant 0 : index
    %swap3A_15 = vector.load %arg5[%swap3A_13, %swap3A_14] : memref<2000x256xf32, #tpu.memory_space<vmem>>, vector<2000x256xf32>
    tpu.vector_store %arg5[%swap3A_13, %swap3A_14], %dot_general3A_12 {strides = array<i32>} : memref<2000x256xf32, #tpu.memory_space<vmem>>, vector<2000x256xf32>,
    return
  }
  func.func @transform_0(%arg0: i32) -> (i32, i32) {
    %c0_i32 = arith.constant 0 : i32
    %c0_i32_0 = arith.constant 0 : i32
    return %arg0, %c0_i32 : i32, i32
  }
  func.func @transform_1(%arg0: i32) -> (i32, i32) {
    %c0_i32 = arith.constant 0 : i32
    %c0_i32_0 = arith.constant 0 : i32
    %c0_i32_1 = arith.constant 0 : i32
    return %c0_i32, %c0_i32_0 : i32, i32
  }
  func.func @transform_2(%arg0: i32) -> (i32, i32) {
    %c0_i32 = arith.constant 0 : i32
    %c0_i32_0 = arith.constant 0 : i32
    %c0_i32_1 = arith.constant 0 : i32
    return %c0_i32, %c0_i32_0 : i32, i32
  }
  func.func @transform_3(%arg0: i32) -> (i32, i32) {
    %c0_i32 = arith.constant 0 : i32
    %c0_i32_0 = arith.constant 0 : i32
    return %arg0, %c0_i32 : i32, i32
  }
  func.func @transform_4(%arg0: i32) -> (i32, i32) {
    %c0_i32 = arith.constant 0 : i32
    %c0_i32_0 = arith.constant 0 : i32
    return %arg0, %c0_i32 : i32, i32
  }
}

module attributes {stable_mosaic.version = 14 : i64} {
  func.func @_msg_body(%arg0: i32, %arg1: memref<2048x256xf32, #tpu.memory_space<vmem>>, %arg2: memref<2048x256xf32, #tpu.memory_space<vmem>>, %arg3: memref<2048x16xf32, #tpu.memory_space<vmem>>, %arg4: memref<16x256xf32, #tpu.memory_space<vmem>>, %arg5: memref<1x256xf32, #tpu.memory_space<vmem>>, %arg6: memref<256x256xf32, #tpu.memory_space<vmem>>, %arg7: memref<1x256xf32, #tpu.memory_space<vmem>>, %arg8: memref<2048x256xf32, #tpu.memory_space<vmem>>) attributes {dimension_semantics = [#tpu.dimension_semantics<arbitrary>], iteration_bounds = array<i64: 80>, scalar_prefetch = 0 : i64, scratch_operands = 0 : i64, tpu.core_type = #tpu.core_type<tc>, window_params = [{transform_indices = @transform_0, window_bounds = array<i64: 2048, 256>}, {transform_indices = @transform_1, window_bounds = array<i64: 2048, 256>}, {transform_indices = @transform_2, window_bounds = array<i64: 2048, 16>}, {pipeline_mode = #tpu.pipeline_mode<synchronous>, transform_indices = @transform_3, window_bounds = array<i64: 16, 256>}, {pipeline_mode = #tpu.pipeline_mode<synchronous>, transform_indices = @transform_4, window_bounds = array<i64: 1, 256>}, {pipeline_mode = #tpu.pipeline_mode<synchronous>, transform_indices = @transform_5, window_bounds = array<i64: 256, 256>}, {pipeline_mode = #tpu.pipeline_mode<synchronous>, transform_indices = @transform_6, window_bounds = array<i64: 1, 256>}, {transform_indices = @transform_7, window_bounds = array<i64: 2048, 256>}]} {
    %get3A = arith.constant 0 : index
    %get3A_0 = arith.constant 0 : index
    %get3A_1 = vector.load %arg1[%get3A, %get3A_0] : memref<2048x256xf32, #tpu.memory_space<vmem>>, vector<2048x256xf32>
    %get3A_2 = arith.constant 0 : index
    %get3A_3 = arith.constant 0 : index
    %get3A_4 = vector.load %arg2[%get3A_2, %get3A_3] : memref<2048x256xf32, #tpu.memory_space<vmem>>, vector<2048x256xf32>
    %add3A = arith.addf %get3A_1, %get3A_4 : vector<2048x256xf32>
    %get3A_5 = arith.constant 0 : index
    %get3A_6 = arith.constant 0 : index
    %get3A_7 = vector.load %arg3[%get3A_5, %get3A_6] : memref<2048x16xf32, #tpu.memory_space<vmem>>, vector<2048x16xf32>
    %get3A_8 = arith.constant 0 : index
    %get3A_9 = arith.constant 0 : index
    %get3A_10 = vector.load %arg4[%get3A_8, %get3A_9] : memref<16x256xf32, #tpu.memory_space<vmem>>, vector<16x256xf32>
    %dot_general3A = arith.constant dense<0.000000e+00> : vector<2048x256xf32>
    %dot_general3A_11 = tpu.matmul %get3A_7, %get3A_10, %dot_general3A {dimension_numbers = #tpu.dot_dimension_numbers<[1], [0], [0], [1], [0, 0, 1, 1], [], []>, transpose_lhs_hint = false} : vector<2048x16xf32>, vector<16x256xf32>, vector<2048x256xf32> -> vector<2048x256xf32>
    %add3A_12 = arith.addf %add3A, %dot_general3A_11 : vector<2048x256xf32>
    %get3A_13 = arith.constant 0 : index
    %get3A_14 = arith.constant 0 : index
    %get3A_15 = vector.load %arg5[%get3A_13, %get3A_14] : memref<1x256xf32, #tpu.memory_space<vmem>>, vector<1x256xf32>
    %add3A_16 = vector.broadcast %get3A_15 : vector<1x256xf32> to vector<2048x256xf32>
    %add3A_17 = arith.addf %add3A_12, %add3A_16 : vector<2048x256xf32>
    %max3A = arith.constant 0.000000e+00 : f32
    %max3A_18 = vector.broadcast %max3A : f32 to vector<2048x256xf32>
    %max3A_19 = arith.maximumf %add3A_17, %max3A_18 : vector<2048x256xf32>
    %get3A_20 = arith.constant 0 : index
    %get3A_21 = arith.constant 0 : index
    %get3A_22 = vector.load %arg6[%get3A_20, %get3A_21] : memref<256x256xf32, #tpu.memory_space<vmem>>, vector<256x256xf32>
    %dot_general3A_23 = arith.constant dense<0.000000e+00> : vector<2048x256xf32>
    %dot_general3A_24 = tpu.matmul %max3A_19, %get3A_22, %dot_general3A_23 {dimension_numbers = #tpu.dot_dimension_numbers<[1], [0], [0], [1], [0, 0, 1, 1], [], []>, transpose_lhs_hint = false} : vector<2048x256xf32>, vector<256x256xf32>, vector<2048x256xf32> -> vector<2048x256xf32>
    %get3A_25 = arith.constant 0 : index
    %get3A_26 = arith.constant 0 : index
    %get3A_27 = vector.load %arg7[%get3A_25, %get3A_26] : memref<1x256xf32, #tpu.memory_space<vmem>>, vector<1x256xf32>
    %add3A_28 = vector.broadcast %get3A_27 : vector<1x256xf32> to vector<2048x256xf32>
    %add3A_29 = arith.addf %dot_general3A_24, %add3A_28 : vector<2048x256xf32>
    %mul3A = arith.constant 2048 : i32
    %mul3A_30 = arith.muli %arg0, %mul3A : i32
    %iota3A = tpu.iota {dimensions = array<i32: 0>} : vector<2048x1xi32>
    %add3A_31 = vector.broadcast %mul3A_30 : i32 to vector<2048x1xi32>
    %add3A_32 = arith.addi %add3A_31, %iota3A : vector<2048x1xi32>
    %lt3A = arith.constant 160000 : i32
    %lt3A_33 = vector.broadcast %lt3A : i32 to vector<2048x1xi32>
    %lt3A_34 = arith.cmpi slt, %add3A_32, %lt3A_33 : vector<2048x1xi32>
    %jit3A = arith.constant 0.000000e+00 : f32
    %broadcast_in_dim3A = vector.shape_cast %lt3A_34 : vector<2048x1xi1> to vector<2048x1xi1>
    %broadcast_in_dim3A_35 = vector.broadcast %broadcast_in_dim3A : vector<2048x1xi1> to vector<2048x256xi1>
    %broadcast_in_dim3A_36 = vector.broadcast %jit3A : f32 to vector<2048x256xf32>
    %select_n3A = arith.select %broadcast_in_dim3A_35, %add3A_29, %broadcast_in_dim3A_36 : vector<2048x256xi1>, vector<2048x256xf32>
    %swap3A = arith.constant 0 : index
    %swap3A_37 = arith.constant 0 : index
    %swap3A_38 = vector.load %arg8[%swap3A, %swap3A_37] : memref<2048x256xf32, #tpu.memory_space<vmem>>, vector<2048x256xf32>
    tpu.vector_store %arg8[%swap3A, %swap3A_37], %select_n3A {strides = array<i32>} : memref<2048x256xf32, #tpu.memory_space<vmem>>, vector<2048x256xf32>,
    return
  }
  func.func @transform_0(%arg0: i32) -> (i32, i32) {
    %c0_i32 = arith.constant 0 : i32
    %c0_i32_0 = arith.constant 0 : i32
    return %arg0, %c0_i32 : i32, i32
  }
  func.func @transform_1(%arg0: i32) -> (i32, i32) {
    %c0_i32 = arith.constant 0 : i32
    %c0_i32_0 = arith.constant 0 : i32
    return %arg0, %c0_i32 : i32, i32
  }
  func.func @transform_2(%arg0: i32) -> (i32, i32) {
    %c0_i32 = arith.constant 0 : i32
    %c0_i32_0 = arith.constant 0 : i32
    return %arg0, %c0_i32 : i32, i32
  }
  func.func @transform_3(%arg0: i32) -> (i32, i32) {
    %c0_i32 = arith.constant 0 : i32
    %c0_i32_0 = arith.constant 0 : i32
    %c0_i32_1 = arith.constant 0 : i32
    return %c0_i32, %c0_i32_0 : i32, i32
  }
  func.func @transform_4(%arg0: i32) -> (i32, i32) {
    %c0_i32 = arith.constant 0 : i32
    %c0_i32_0 = arith.constant 0 : i32
    %c0_i32_1 = arith.constant 0 : i32
    return %c0_i32, %c0_i32_0 : i32, i32
  }
  func.func @transform_5(%arg0: i32) -> (i32, i32) {
    %c0_i32 = arith.constant 0 : i32
    %c0_i32_0 = arith.constant 0 : i32
    %c0_i32_1 = arith.constant 0 : i32
    return %c0_i32, %c0_i32_0 : i32, i32
  }
  func.func @transform_6(%arg0: i32) -> (i32, i32) {
    %c0_i32 = arith.constant 0 : i32
    %c0_i32_0 = arith.constant 0 : i32
    %c0_i32_1 = arith.constant 0 : i32
    return %c0_i32, %c0_i32_0 : i32, i32
  }
  func.func @transform_7(%arg0: i32) -> (i32, i32) {
    %c0_i32 = arith.constant 0 : i32
    %c0_i32_0 = arith.constant 0 : i32
    return %arg0, %c0_i32 : i32, i32
  }
}

module attributes {stable_mosaic.version = 14 : i64} {
  func.func @_upd_body(%arg0: i32, %arg1: memref<2000x256xf32, #tpu.memory_space<vmem>>, %arg2: memref<2000x256xf32, #tpu.memory_space<vmem>>, %arg3: memref<256x256xf32, #tpu.memory_space<vmem>>, %arg4: memref<256x256xf32, #tpu.memory_space<vmem>>, %arg5: memref<1x256xf32, #tpu.memory_space<vmem>>, %arg6: memref<256x256xf32, #tpu.memory_space<vmem>>, %arg7: memref<1x256xf32, #tpu.memory_space<vmem>>, %arg8: memref<2000x256xf32, #tpu.memory_space<vmem>>) attributes {dimension_semantics = [#tpu.dimension_semantics<arbitrary>], iteration_bounds = array<i64: 5>, scalar_prefetch = 0 : i64, scratch_operands = 0 : i64, tpu.core_type = #tpu.core_type<tc>, window_params = [{transform_indices = @transform_0, window_bounds = array<i64: 2000, 256>}, {transform_indices = @transform_1, window_bounds = array<i64: 2000, 256>}, {pipeline_mode = #tpu.pipeline_mode<synchronous>, transform_indices = @transform_2, window_bounds = array<i64: 256, 256>}, {pipeline_mode = #tpu.pipeline_mode<synchronous>, transform_indices = @transform_3, window_bounds = array<i64: 256, 256>}, {pipeline_mode = #tpu.pipeline_mode<synchronous>, transform_indices = @transform_4, window_bounds = array<i64: 1, 256>}, {pipeline_mode = #tpu.pipeline_mode<synchronous>, transform_indices = @transform_5, window_bounds = array<i64: 256, 256>}, {pipeline_mode = #tpu.pipeline_mode<synchronous>, transform_indices = @transform_6, window_bounds = array<i64: 1, 256>}, {transform_indices = @transform_7, window_bounds = array<i64: 2000, 256>}]} {
    %get3A = arith.constant 0 : index
    %get3A_0 = arith.constant 0 : index
    %get3A_1 = vector.load %arg1[%get3A, %get3A_0] : memref<2000x256xf32, #tpu.memory_space<vmem>>, vector<2000x256xf32>
    %get3A_2 = arith.constant 0 : index
    %get3A_3 = arith.constant 0 : index
    %get3A_4 = vector.load %arg3[%get3A_2, %get3A_3] : memref<256x256xf32, #tpu.memory_space<vmem>>, vector<256x256xf32>
    %dot_general3A = arith.constant dense<0.000000e+00> : vector<2000x256xf32>
    %dot_general3A_5 = tpu.matmul %get3A_1, %get3A_4, %dot_general3A {dimension_numbers = #tpu.dot_dimension_numbers<[1], [0], [0], [1], [0, 0, 1, 1], [], []>, transpose_lhs_hint = false} : vector<2000x256xf32>, vector<256x256xf32>, vector<2000x256xf32> -> vector<2000x256xf32>
    %get3A_6 = arith.constant 0 : index
    %get3A_7 = arith.constant 0 : index
    %get3A_8 = vector.load %arg2[%get3A_6, %get3A_7] : memref<2000x256xf32, #tpu.memory_space<vmem>>, vector<2000x256xf32>
    %get3A_9 = arith.constant 0 : index
    %get3A_10 = arith.constant 0 : index
    %get3A_11 = vector.load %arg4[%get3A_9, %get3A_10] : memref<256x256xf32, #tpu.memory_space<vmem>>, vector<256x256xf32>
    %dot_general3A_12 = arith.constant dense<0.000000e+00> : vector<2000x256xf32>
    %dot_general3A_13 = tpu.matmul %get3A_8, %get3A_11, %dot_general3A_12 {dimension_numbers = #tpu.dot_dimension_numbers<[1], [0], [0], [1], [0, 0, 1, 1], [], []>, transpose_lhs_hint = false} : vector<2000x256xf32>, vector<256x256xf32>, vector<2000x256xf32> -> vector<2000x256xf32>
    %add3A = arith.addf %dot_general3A_5, %dot_general3A_13 : vector<2000x256xf32>
    %get3A_14 = arith.constant 0 : index
    %get3A_15 = arith.constant 0 : index
    %get3A_16 = vector.load %arg5[%get3A_14, %get3A_15] : memref<1x256xf32, #tpu.memory_space<vmem>>, vector<1x256xf32>
    %add3A_17 = vector.broadcast %get3A_16 : vector<1x256xf32> to vector<2000x256xf32>
    %add3A_18 = arith.addf %add3A, %add3A_17 : vector<2000x256xf32>
    %max3A = arith.constant 0.000000e+00 : f32
    %max3A_19 = vector.broadcast %max3A : f32 to vector<2000x256xf32>
    %max3A_20 = arith.maximumf %add3A_18, %max3A_19 : vector<2000x256xf32>
    %get3A_21 = arith.constant 0 : index
    %get3A_22 = arith.constant 0 : index
    %get3A_23 = vector.load %arg6[%get3A_21, %get3A_22] : memref<256x256xf32, #tpu.memory_space<vmem>>, vector<256x256xf32>
    %dot_general3A_24 = arith.constant dense<0.000000e+00> : vector<2000x256xf32>
    %dot_general3A_25 = tpu.matmul %max3A_20, %get3A_23, %dot_general3A_24 {dimension_numbers = #tpu.dot_dimension_numbers<[1], [0], [0], [1], [0, 0, 1, 1], [], []>, transpose_lhs_hint = false} : vector<2000x256xf32>, vector<256x256xf32>, vector<2000x256xf32> -> vector<2000x256xf32>
    %get3A_26 = arith.constant 0 : index
    %get3A_27 = arith.constant 0 : index
    %get3A_28 = vector.load %arg7[%get3A_26, %get3A_27] : memref<1x256xf32, #tpu.memory_space<vmem>>, vector<1x256xf32>
    %add3A_29 = vector.broadcast %get3A_28 : vector<1x256xf32> to vector<2000x256xf32>
    %add3A_30 = arith.addf %dot_general3A_25, %add3A_29 : vector<2000x256xf32>
    %swap3A = arith.constant 0 : index
    %swap3A_31 = arith.constant 0 : index
    %swap3A_32 = vector.load %arg8[%swap3A, %swap3A_31] : memref<2000x256xf32, #tpu.memory_space<vmem>>, vector<2000x256xf32>
    tpu.vector_store %arg8[%swap3A, %swap3A_31], %add3A_30 {strides = array<i32>} : memref<2000x256xf32, #tpu.memory_space<vmem>>, vector<2000x256xf32>,
    return
  }
  func.func @transform_0(%arg0: i32) -> (i32, i32) {
    %c0_i32 = arith.constant 0 : i32
    %c0_i32_0 = arith.constant 0 : i32
    return %arg0, %c0_i32 : i32, i32
  }
  func.func @transform_1(%arg0: i32) -> (i32, i32) {
    %c0_i32 = arith.constant 0 : i32
    %c0_i32_0 = arith.constant 0 : i32
    return %arg0, %c0_i32 : i32, i32
  }
  func.func @transform_2(%arg0: i32) -> (i32, i32) {
    %c0_i32 = arith.constant 0 : i32
    %c0_i32_0 = arith.constant 0 : i32
    %c0_i32_1 = arith.constant 0 : i32
    return %c0_i32, %c0_i32_0 : i32, i32
  }
  func.func @transform_3(%arg0: i32) -> (i32, i32) {
    %c0_i32 = arith.constant 0 : i32
    %c0_i32_0 = arith.constant 0 : i32
    %c0_i32_1 = arith.constant 0 : i32
    return %c0_i32, %c0_i32_0 : i32, i32
  }
  func.func @transform_4(%arg0: i32) -> (i32, i32) {
    %c0_i32 = arith.constant 0 : i32
    %c0_i32_0 = arith.constant 0 : i32
    %c0_i32_1 = arith.constant 0 : i32
    return %c0_i32, %c0_i32_0 : i32, i32
  }
  func.func @transform_5(%arg0: i32) -> (i32, i32) {
    %c0_i32 = arith.constant 0 : i32
    %c0_i32_0 = arith.constant 0 : i32
    %c0_i32_1 = arith.constant 0 : i32
    return %c0_i32, %c0_i32_0 : i32, i32
  }
  func.func @transform_6(%arg0: i32) -> (i32, i32) {
    %c0_i32 = arith.constant 0 : i32
    %c0_i32_0 = arith.constant 0 : i32
    %c0_i32_1 = arith.constant 0 : i32
    return %c0_i32, %c0_i32_0 : i32, i32
  }
  func.func @transform_7(%arg0: i32) -> (i32, i32) {
    %c0_i32 = arith.constant 0 : i32
    %c0_i32_0 = arith.constant 0 : i32
    return %arg0, %c0_i32 : i32, i32
  }
}

</mosaic_0001>

<sc_bundles>
// kernel: kernel.10.cloned.1.call-start
scs
__scs_entry_jumppad:
0x0: {  	(pc) =	sbr.rel $0x88, $3  }
0x1: {  	(tag) =	ssettag $0x0;
	lr =	simm.s32 $0x1  }
0x2: {  	[smem:$0x3F96] =	sst lr;
	_ =	strace $0xD0000000  }
0x3: {  	_ = 	snop  }
0x4: {  	_ = 	snop  }
0x5: {  	_ = 	snop  }
0x6: {  	_ = 	snop  }
0x7: {  	_ = 	snop  }
__scs_overlays_trampoline_lowered:
0x8: {  	[smem:$0x3FA5] =	sst s0  }
0x9: {  	[smem:$0x3FA6] =	sst s1  }
0xa: {  	[smem:$0x3FA7] =	sst s2  }
0xb: {  	[smem:$0x3FA8] =	sst s3  }
0xc: {  	[smem:$0x3FA9] =	sst s4  }
0xd: {  	[smem:$0x3FAA] =	sst s5  }
0xe: {  	[smem:$0x3FAB] =	sst s6  }
0xf: {  	[smem:$0x3FAC] =	sst s7  }
0x10: {  	[smem:$0x3FAD] =	sst s8  }
0x11: {  	[smem:$0x3FAE] =	sst s9;
	s0 =	simm.s32 @!p0 $0x0  }
0x12: {  	s1 =	sld [smem:$0x3F94];
	s0 =	simm.s32 @p0 $0x1  }
0x13: {  	[smem:$0x3FAF] =	sst s0;
	s0 =	simm.s32 @!p1 $0x0  }
0x14: {  	s2 =	sld [smem:$0x3F93];
	s0 =	simm.s32 @p1 $0x1  }
0x15: {  	[smem:$0x3FB0] =	sst s0;
	s0 =	simm.s32 @!p2 $0x0  }
0x16: {  	s3 =	sld [smem:$0x3FDB];
	s0 =	simm.s32 @p2 $0x1  }
0x17: {  	s4 =	simm.s32 $0x1BF5;
	[smem:$0x3FB2] =	sst s0  }
0x18: {  	s0 =	sld [smem:$0x3F95];
	_ =	swait.ge [sflag:s4], $0x0  }
0x19: {  	s7 =	sld [smem:$0x3F96]  }
0x1a: {  	s8 =	sadd.s32 $0xFFFFE003, lr  }
0x1b: {  	s9 =	sadd.s32 $0xFFFFFEF7, lr;
	s5 =	simm.s32 $0xFFFFFFFF;
	p2 =	slt.u32 s8, $0xFFFFF086  }
0x1c: {  	p1 =	slt.u32 s9, $0xF7A;
	s5 =	simm.s32 @!p2 $0x0  }
0x1d: {  	s5 =	simm.s32 @p1 $0x1;
	p0 =	seq.s32 s7, s2  }
0x1e: {  	s7 =	smul.u32 @!p0 $0xF7A, s2;
	p2 =	seq.s32 @!p0 s5, $0x0  }
0x1f: {  	s9 =	smul.u32 $0xF7A, s1;
	s8 =	simm.s32 @!p0 $0x1BF5;
	p2 =	por !p2, p0  }
0x20: {  	[sflag:s8] =	ssyncset.s32 @!p0 $0xFFFFF086;
	s6 =	sadd.s32 @!p0 s3, s7;
	s7 =	simm.s32 @!p0 $0x108  }
0x21: {  	s3 =	sadd.s32 s3, s9;
	s6 =	sadd.s32 @!p0 $0x88, s6;
	s7 =	simm.s32 @p2 $0x1082  }
0x22: {  	[simem:s7], [sflag:s8] =	dma.local @!p0 [hbm:s6], $0xF7A  }
0x23: {  	s9 =	sor.u32 $0xD0000000, s2;
	s6 =	simm.s32 $0x108;
	_ =	swait.ge @!p0 [sflag:s8], $0x0  }
0x24: {  	s3 =	sadd.s32 $0x88, s3;
	s6 =	simm.s32 @!p1 $0x1082;
	[sflag:s4] =	ssyncset.s32 $0xFFFFF086  }
0x25: {  	[simem:s6], [sflag:s4] =	dma.local [hbm:s3], $0xF7A  }
0x26: {  	[smem:$0x3F96] =	sst s1;
	(tag) =	ssettag s2;
	_ =	strace s9  }
0x27: {  	s1 =	sld [smem:$0x3FA6]  }
0x28: {  	s2 =	sld [smem:$0x3FA7]  }
0x29: {  	s4 =	sld [smem:$0x3FA9]  }
0x2a: {  	p0 =	seq.s32 s5, $0x0;
	s5 =	sld [smem:$0x3FAA]  }
0x2b: {  	s6 =	sld [smem:$0x3FAB]  }
0x2c: {  	s7 =	sld [smem:$0x3FAC]  }
0x2d: {  	s3 =	simm.s32 $0x108;
	s8 =	sld [smem:$0x3FAD]  }
0x2e: {  	s3 =	simm.s32 @!p0 $0x1082;
	s9 =	sld [smem:$0x3FAE]  }
0x2f: {  	lr =	sadd.s32 s0, s3;
	s0 =	sld [smem:$0x3FA5]  }
0x30: {  	s3 =	sld [smem:$0x3FA8]  }
0x31: {  	[smem:$0x3FB1] =	sst s10  }
0x32: {  	s10 =	sld [smem:$0x3FAF];
	_ =	sdelay $0x3  }
0x33: {  	p0 =	seq.s32 s10, $0x1;
	s10 =	sld [smem:$0x3FB1];
	_ =	sdelay $0x3  }
0x34: {  	[smem:$0x3FB1] =	sst s10  }
0x35: {  	s10 =	sld [smem:$0x3FB0];
	_ =	sdelay $0x3  }
0x36: {  	p1 =	seq.s32 s10, $0x1;
	s10 =	sld [smem:$0x3FB1];
	_ =	sdelay $0x3  }
0x37: {  	[smem:$0x3FB1] =	sst s10  }
0x38: {  	s10 =	sld [smem:$0x3FB2]  }
0x39: {  	_ = 	snop;
	(pc) =	sbr.ind lr, $3  }
0x3a: {  	_ = 	snop  }
0x3b: {  	_ = 	snop  }
0x3c: {  	p2 =	seq.s32 s10, $0x1;
	s10 =	sld [smem:$0x3FB1]  }
0x3d: {  	_ =	shalt  }
0x3e: {  	_ =	shalt  }
0x3f: {  	_ =	shalt  }
0x40: {  	_ =	shalt  }
0x41: {  	_ =	shalt  }
0x42: {  	_ =	shalt  }
0x43: {  	_ =	shalt  }
0x44: {  	_ =	shalt  }
0x45: {  	_ =	shalt  }
0x46: {  	_ =	shalt  }
0x47: {  	_ =	shalt  }
0x48: {  	_ =	shalt  }
0x49: {  	_ =	shalt  }
0x4a: {  	_ =	shalt  }
0x4b: {  	_ =	shalt  }
0x4c: {  	_ =	shalt  }
0x4d: {  	_ =	shalt  }
0x4e: {  	_ =	shalt  }
0x4f: {  	_ =	shalt  }
0x50: {  	_ =	shalt  }
0x51: {  	_ =	shalt  }
0x52: {  	_ =	shalt  }
0x53: {  	_ =	shalt  }
0x54: {  	_ =	shalt  }
0x55: {  	_ =	shalt  }
0x56: {  	_ =	shalt  }
0x57: {  	_ =	shalt  }
0x58: {  	_ =	shalt  }
0x59: {  	_ =	shalt  }
0x5a: {  	_ =	shalt  }
0x5b: {  	_ =	shalt  }
0x5c: {  	_ =	shalt  }
0x5d: {  	_ =	shalt  }
0x5e: {  	_ =	shalt  }
0x5f: {  	_ =	shalt  }
0x60: {  	_ =	shalt  }
0x61: {  	_ =	shalt  }
0x62: {  	_ =	shalt  }
0x63: {  	_ =	shalt  }
0x64: {  	_ =	shalt  }
0x65: {  	_ =	shalt  }
0x66: {  	_ =	shalt  }
0x67: {  	_ =	shalt  }
0x68: {  	_ =	shalt  }
0x69: {  	_ =	shalt  }
0x6a: {  	_ =	shalt  }
0x6b: {  	_ =	shalt  }
0x6c: {  	_ =	shalt  }
0x6d: {  	_ =	shalt  }
0x6e: {  	_ =	shalt  }
0x6f: {  	_ =	shalt  }
0x70: {  	_ =	shalt  }
0x71: {  	_ =	shalt  }
0x72: {  	_ =	shalt  }
0x73: {  	_ =	shalt  }
0x74: {  	_ =	shalt  }
0x75: {  	_ =	shalt  }
0x76: {  	_ =	shalt  }
0x77: {  	_ =	shalt  }
0x78: {  	_ =	shalt  }
0x79: {  	_ =	shalt  }
0x7a: {  	_ =	shalt  }
0x7b: {  	_ =	shalt  }
0x7c: {  	_ =	shalt  }
0x7d: {  	_ =	shalt  }
0x7e: {  	_ =	shalt  }
0x7f: {  	_ =	shalt  }
0x80: {  	_ =	shalt  }
0x81: {  	_ =	shalt  }
0x82: {  	_ =	shalt  }
0x83: {  	_ =	shalt  }
0x84: {  	_ =	shalt  }
0x85: {  	_ =	shalt  }
0x86: {  	_ =	shalt  }
0x87: {  	_ =	shalt  }
.Lfunc_end0:
.L_simem_size_0:
called_computation.1_lowered:
.L_overlay_start_0:
0x88: {  	s2 =	sld [smem:$0x3FD9]  }
0x89: {  	s3 =	sld [smem:$0x3FFE];
	_ =	sdelay $0x1  }
0x8a: {  	s1 =	srdreg.scid  }
0x8b: {  	s0 =	sand.u32 $0x1, s1  }
0x8c: {  	s17 =	sshll.u32 s0, $0xA;
	s2 =	sadd.s32 s3, s2  }
0x8d: {  	s2 =	sadd.s32 s2, s17  }
0x8e: {  	[smem:$0x3FBD] =	sst s2  }
0x8f: {  	_ = 	snop  }
0x90: {  	s2 =	sld [smem:$0x3FD0];
	(tm) =	ssettm $0x1  }
0x91: {  	s18 =	sld [smem:$0x3FFB];
	_ =	sdelay $0x3  }
0x92: {  	_ =	strace s18  }
0x93: {  	s3 =	sld [smem:$0x3FFC];
	_ =	sdelay $0x3  }
0x94: {  	_ =	strace s3  }
0x95: {  	s3 =	sld [smem:$0x3FFD];
	_ =	sdelay $0x3  }
0x96: {  	_ =	strace s3  }
0x97: {  	_ =	strace $0x8FFFFFFF  }
0x98: {  	s19 =	sld [smem:$0x3FDB];
	_ =	sdelay $0x1  }
0x99: {  	s4 =	simm.s32 $_scs_section_size  }
0x9a: {  	s5 =	simm.s32 $_size__tile_overlayer_lowered;
	s6 =	simm.s32 $_tile_overlayer_lowered  }
0x9b: {  	s22 =	simm.s32 $0x1BFF;
	s21 =	sshll.u32 s6, $0x1;
	s3 =	sadd.s32 s4, s19  }
0x9c: {  	s7 =	simm.s32 $0x0;
	s20 =	sshll.u32 s5, $0x1;
	s5 =	sadd.s32 s21, s3  }
0x9d: {  	[timem:s7], [sflag:s22] =	dma.local [hbm:s5], s20  }
0x9e: {  	_ =	swait.ge [sflag:s22], s20  }
0x9f: {  	s4 =	ssub.s32 $0x0, s20;
	[sflag:s22] =	ssyncset.done $0x0  }
0xa0: {  	[sflag:s22] =	ssyncadd.s32 s4;
	_ =	sdelay $0x1  }
0xa1: {  	s23 =	simm.s32 $0x1B8B  }
0xa2: {  	_ =	swait.ge [sflag:s23], $0x1  }
0xa3: {  	[sflag:s23] =	ssyncset.done $0x0  }
0xa4: {  	s25 =	simm.s32 $0x1B8E;
	s24 =	sld [smem:$0x3FFE];
	[sflag:s23] =	ssyncadd.s32 $0xFFFFFFFF  }
0xa5: {  	s26 =	simm.s32 $execute0_lowered;
	[smem:$0x3FD2] =	sst s25  }
0xa6: {  	s5 =	sshll.u32 s26, $0x1;
	_ =	strace $0x80000049;
	[dreg:$0x1] =	wrdreg $0xFFFFFFFF  }
0xa7: {  	s28 =	simm.s32 $_size_execute0_lowered;
	s3 =	sadd.s32 s3, s5;
	[dreg:$0x0] =	wrdreg $0x0  }
0xa8: {  	s5 =	sshll.u32 s28, $0x1;
	[dreg:$0x2] =	wrdreg s3  }
0xa9: {  	[dreg:$0x3] =	wrdreg s5  }
0xaa: {  	[dreg:$0x4] =	wrdreg $0xC0  }
0xab: {  	_ =	task [dreg:s7], $0x5FFFF  }
0xac: {  	[dreg:$0x1] =	wrdreg $0xFFFFFFFF  }
0xad: {  	[dreg:$0x0] =	wrdreg $0x60  }
0xae: {  	[dreg:$0x2] =	wrdreg s24  }
0xaf: {  	[dreg:$0x3] =	wrdreg s2  }
0xb0: {  	[dreg:$0x4] =	wrdreg $0x40800  }
0xb1: {  	[dreg:$0x5] =	wrdreg $0x9  }
0xb2: {  	_ =	task.clear_ibuf [dreg:s7], $0x6FFFF;
	_ =	strace $0x90000049  }
0xb3: {  	s29 =	simm.s32 $0x9;
	_ =	strace $0x8000004B  }
0xb4: {  	_ =	swait.ge [sflag:s29], $0x1  }
0xb5: {  	[sflag:s29] =	ssyncadd.s32 $0xFFFFFFFF  }
0xb6: {  	_ =	strace $0x9000004B  }
0xb7: {  	_ =	sfence  }
0xb8: {  	s30 =	sld [smem:$0x0];
	_ =	sdelay $0x2  }
0xb9: {  	s31 =	sshll.u32 s1, $0xD;
	s1 =	sshrl.u32 s1, $0x2  }
0xba: {  	s3 =	sand.u32 $0x4000, s31;
	s1 =	sadd.s32 s1, s30  }
0xbb: {  	s0 =	sor.u32 s3, s0;
	s1 =	sshll.u32 s1, $0x11  }
0xbc: {  	s0 =	sor.u32 s1, s0  }
0xbd: {  	s0 =	sadd.s32 $0x8F2B, s0  }
0xbe: {  	[sflag:s0] =	ssyncadd.remote.s32 $0x1  }
0xbf: {  	_ =	sfence.sel $0xFFFF  }
0xc0: {  	[dreg:$0x0] =	wrdreg $0xFFFFFFFF;
	(pc) =	sbr.abs _section_cstart, $3  }
0xc1: {  	[dreg:$0x1] =	wrdreg $0xFFFFFFFF  }
0xc2: {  	_ =	task.clear_ibuf [dreg:s7], $0x2FFFF;
	_ =	strace $0x9FFFFFFF  }
0xc3: {  	(tm) =	ssettm $0x7FFFFFFF  }
tec
execute0_lowered:
.L_overlay_start_1:
0x0: {  	(tag) =	ssettag $0x1  }
0x1: {  	s5 =	rddreg [dreg:$0x0]  }
0x2: {  	s2 =	rddreg [dreg:$0x1]  }
0x3: {  	s3 =	rddreg [dreg:$0x2]  }
0x4: {  	s1 =	stileid.u32;
	s0 =	rddreg [dreg:$0x3]  }
0x5: {  	s4 =	simm.s32 $0x0;
	s8 =	srdreg.scid;
	s16 =	simm.s32 $0x400  }
0x6: {  	s17 =	simm.s32 $0x800;
	s20 =	simm.s32 $0x8;
	s6 =	smul.u32 $0x50000, s1  }
0x7: {  	s21 =	simm.s32 $0x100;
	s22 =	simm.s32 $0x0;
	s7 =	smul.u32 $0x500, s1  }
0x8: {  	[smem:$0x7FF] =	sst s4;
	s10 =	sand.u32 $0x1, s8;
	s26 =	smul.u32 $0x28000, s1  }
0x9: {  	s18 =	sshll.u32 s1, $0x6;
	_ =	strace $0x8000004A;
	s9 =	sshll.u32 s10, $0xA  }
0xa: {  	s29 =	ssub.s32 $0x2, s10;
	s15 =	sshll.u32 s10, $0x7;
	s18 =	sor.u32 $0x1C01, s18  }
0xb: {  	s12 =	sadd.s32 s6, s5;
	s13 =	sadd.s32 s7, s5;
	s28 =	sor.u32 s9, s26  }
0xc: {  	s6 =	sshrl.u32 s6, $0x2;
	s30 =	sshrl.u32 s29, $0x1;
	s7 =	sshrl.u32 s28, $0x3  }
0xd: {  	s14 =	ssub.s32 s29, s30;
	s31 =	sadd.s32 s15, s12;
	s12 =	sadd.s32 $0x2C00, s13  }
0xe: {  	s15 =	simm.s32 $0x1;
	s11 =	sadd.s32 s7, s5;
	s5 =	sadd.s32 s6, s3  }
0xf: {  	s13 =	sadd.s32 $0xF4BE00, s31;
	s6 =	sadd.s32 $0x4000, s5;
	s7 =	sadd.s32 $0x8000, s5  }
0x10: {  	s8 =	sadd.s32 $0xC000, s5;
	s9 =	sadd.s32 $0x10000, s5;
	s10 =	sadd.s32 $0x7C00, s11  }
0x11: {  	s11 =	smax.u32 s14, $0x1;
	s14 =	simm.s32 $0x80;
	s19 =	sshrl.u32 s5, $0x3  }
.LBB2_1:
0x12: {  	[tilespmem:s14], [sflag:$0x1] =	stream.linear.gather [hbm4b:s2+s4], $0x4000, $0x38;
	[tilespmem:$0x18080] =	vst v63  }
0x13: {  	_ =	swait.ge [sflag:s15], $0x4000  }
0x14: {  	[sflag:s15] =	ssyncset.done $0x0  }
0x15: {  	[sflag:s15] =	ssyncadd.s32 $0xFFFFC000  }
0x16: {  	[spmem:s5] =	stream.linear.scatter [tilespmem:s14], [sflag:$0x1], $0x4000, $0x38;
	[tilespmem:$0x18080] =	vst v63  }
0x17: {  	_ =	swait.ge [sflag:s15], $0x4000  }
0x18: {  	[sflag:s15] =	ssyncset.done $0x0  }
0x19: {  	[sflag:s15] =	ssyncadd.s32 $0xFFFFC000  }
0x1a: {  	[spmem:s6] =	stream.linear.scatter [tilespmem:s14], [sflag:$0x1], $0x4000, $0x38;
	[tilespmem:$0x18080] =	vst v63  }
0x1b: {  	_ =	swait.ge [sflag:s15], $0x4000  }
0x1c: {  	[sflag:s15] =	ssyncset.done $0x0  }
0x1d: {  	[sflag:s15] =	ssyncadd.s32 $0xFFFFC000  }
0x1e: {  	[spmem:s7] =	stream.linear.scatter [tilespmem:s14], [sflag:$0x1], $0x4000, $0x38;
	[tilespmem:$0x18080] =	vst v63  }
0x1f: {  	_ =	swait.ge [sflag:s15], $0x4000  }
0x20: {  	[sflag:s15] =	ssyncset.done $0x0  }
0x21: {  	[sflag:s15] =	ssyncadd.s32 $0xFFFFC000  }
0x22: {  	[spmem:s8] =	stream.linear.scatter [tilespmem:s14], [sflag:$0x1], $0x4000, $0x38;
	[tilespmem:$0x18080] =	vst v63  }
0x23: {  	_ =	swait.ge [sflag:s15], $0x4000  }
0x24: {  	[sflag:s15] =	ssyncset.done $0x0  }
0x25: {  	[sflag:s15] =	ssyncadd.s32 $0xFFFFC000  }
0x26: {  	[spmem:s9] =	stream.linear.scatter [tilespmem:s14], [sflag:$0x1], $0x4000, $0x38;
	[tilespmem:$0x18080] =	vst v63  }
0x27: {  	_ =	swait.ge [sflag:s15], $0x4000  }
0x28: {  	[sflag:s15] =	ssyncset.done $0x0  }
0x29: {  	[sflag:s15] =	ssyncadd.s32 $0xFFFFC000  }
0x2a: {  	s23 =	sadd.s32 $0x0, s12;
	[bflag:$0x0] =	sbarrier.arrive $0xFFFF  }
0x2b: {  	[tilespmem:s4], [sflag:$0x1] =	stream.linear.gather [hbm4b:s23+s4], $0x80, $0x38;
	[tilespmem:$0x18080] =	vst v63  }
0x2c: {  	_ =	swait.ge [sflag:s15], $0x80  }
0x2d: {  	[sflag:s15] =	ssyncset.done $0x0  }
0x2e: {  	[sflag:s15] =	ssyncadd.s32 $0xFFFFFF80  }
0x2f: {  	[tilespmem:s14], [sflag:$0x1] =	stream.strided.gather [hbm4b:s13+s16], $0x4000, s17, s16, $0x38;
	[tilespmem:$0x18080] =	vst v63  }
0x30: {  	_ =	swait.ge [sflag:s15], $0x4000  }
0x31: {  	[sflag:s15] =	ssyncset.done $0x0  }
0x32: {  	[sflag:s15] =	ssyncadd.s32 $0xFFFFC000  }
0x33: {  	[spmem:s3] =	stream.indirect.scatter.add.f32 [tilespmem:s14], [sflag:$0x1], $0x80, s4, s14, $0xb8;
	[tilespmem:$0x18080] =	vst v63  }
0x34: {  	s24 =	simm.s32 $0x10;
	_ =	swait.ge [sflag:s15], $0x4000  }
0x35: {  	s25 =	simm.s32 $0x20;
	s23 =	sadd.s32 $0x1000, s13;
	[sflag:s15] =	ssyncset.done $0x0  }
.LBB2_2:
0x36: {  	s26 =	sadd.s32 s24, s12  }
0x37: {  	[sflag:s15] =	ssyncadd.s32 $0xFFFFC000;
	s24 =	smov.u32 s25;
	s28 =	sadd.s32 $0x10, s25  }
0x38: {  	[tilespmem:s4], [sflag:$0x1] =	stream.linear.gather [hbm4b:s26+s4], $0x80, $0x38;
	[tilespmem:$0x18080] =	vst v63  }
0x39: {  	p0 =	sne.s32 s25, $0x4F0;
	_ =	swait.ge [sflag:s15], $0x80  }
0x3a: {  	[sflag:s15] =	ssyncset.done $0x0  }
0x3b: {  	[sflag:s15] =	ssyncadd.s32 $0xFFFFFF80  }
0x3c: {  	[tilespmem:s14], [sflag:$0x1] =	stream.strided.gather [hbm4b:s23+s16], $0x4000, s17, s16, $0x38;
	[tilespmem:$0x18080] =	vst v63  }
0x3d: {  	_ =	swait.ge [sflag:s15], $0x4000  }
.Ltmp0:
0x3e: {  	[sflag:s15] =	ssyncset.done $0x0;
	(pc) =	sbr.rel @p0 .LBB2_2-.Ltmp0, $4  }
0x3f: {  	[sflag:s15] =	ssyncadd.s32 $0xFFFFC000  }
0x40: {  	[spmem:s3] =	stream.indirect.scatter.add.f32 [tilespmem:s14], [sflag:$0x1], $0x80, s4, s14, $0xb8;
	[tilespmem:$0x18080] =	vst v63  }
0x41: {  	_ =	swait.ge [sflag:s15], $0x4000  }
0x42: {  	s25 =	smov.u32 s28;
	s23 =	sadd.s32 $0x1000, s23;
	[sflag:s15] =	ssyncset.done $0x0  }
0x43: {  	s24 =	sadd.s32 s24, s12;
	[sflag:s15] =	ssyncadd.s32 $0xFFFFC000  }
0x44: {  	[tilespmem:s4], [sflag:$0x1] =	stream.linear.gather [hbm4b:s24+s4], $0x80, $0x38;
	[tilespmem:$0x18080] =	vst v63  }
0x45: {  	_ =	swait.ge [sflag:s15], $0x80  }
0x46: {  	[sflag:s15] =	ssyncset.done $0x0  }
0x47: {  	[sflag:s15] =	ssyncadd.s32 $0xFFFFFF80  }
0x48: {  	[tilespmem:s14], [sflag:$0x1] =	stream.strided.gather [hbm4b:s23+s16], $0x4000, s17, s16, $0x38;
	[tilespmem:$0x18080] =	vst v63  }
0x49: {  	_ =	swait.ge [sflag:s15], $0x4000  }
0x4a: {  	[sflag:s15] =	ssyncset.done $0x0  }
0x4b: {  	[sflag:s15] =	ssyncadd.s32 $0xFFFFC000  }
0x4c: {  	[spmem:s3] =	stream.indirect.scatter.add.f32 [tilespmem:s14], [sflag:$0x1], $0x80, s4, s14, $0xb8;
	[tilespmem:$0x18080] =	vst v63  }
0x4d: {  	_ =	swait.ge [sflag:s15], $0x4000  }
0x4e: {  	s22 =	sadd.s32 $0x1, s22;
	[sflag:s15] =	ssyncset.done $0x0  }
0x4f: {  	p0 =	sne.s32 s22, s11;
	[sflag:s15] =	ssyncadd.s32 $0xFFFFC000  }
.Ltmp1:
0x50: {  	[bflag:$0x0] =	sbarrier.arrive $0xFFFF;
	(pc) =	sbr.rel @p0 .LBB2_1-.Ltmp1, $4  }
0x51: {  	[hbm:s10@s21], [sflag:s18] =	dma.strided [spmem:s19@s14], $0x2800, s20, $0x10   }
0x52: {  	_ =	swait.ge [sflag:s15], $0x2800  }
0x53: {  	[sflag:s15] =	ssyncset.done $0x0  }
0x54: {  	[sflag:s15] =	ssyncadd.s32 $0xFFFFD800  }
0x55: {  	_ =	sfence.sel $0x180000  }
0x56: {  	[bflag:$0x0] =	sbarrier.arrive $0xFFFF  }
0x57: {  	p0 =	sne.s32 s1, $0x0;
	_ =	strace $0x9000004A  }
0x58: {  	s0 =	sadd.s32 @!p0 $0x100000, s0;
	[bflag:$0x2] =	sbarrier.arrive $0xFFFF  }
0x59: {  	[sflag:s0] =	ssyncadd.tile.s32 @!p0 $0x1;
	_ =	shalt  }
.Lfunc_end2:
_tile_overlayer_lowered:
.L_overlay_start_2:
0x5a: {  	(tag) =	ssettag $0x2  }
0x5b: {  	s0 =	rddreg [dreg:$0x0];
	s2 =	stileid.u32  }
0x5c: {  	s1 =	rddreg [dreg:$0x1];
	p0 =	sne.s32 s2, $0x0  }
0x5d: {  	s3 =	rddreg [dreg:$0x2];
	[bflag:$0x3] =	sbarrier.arrive $0xFFFF;
	s2 =	simm.s32 @!p0 $0x1C01  }
0x5e: {  	[timem:s3], [sflag:s2] =	dma.local @!p0 [hbm:s0], s1  }
0x5f: {  	s0 =	simm.s32 @!p0 $0x1  }
0x60: {  	_ =	swait.ge @!p0 [sflag:s0], s1  }
0x61: {  	s1 =	ssub.s32 @!p0 $0x0, s1;
	[sflag:s0] =	ssyncset.done @!p0 $0x0  }
0x62: {  	[sflag:s0] =	ssyncadd.s32 @!p0 s1  }
0x63: {  	[bflag:$0x3] =	sbarrier.arrive $0xFFFF  }
0x64: {  	_ =	shalt  }

// kernel: kernel.7.cloned.1.call-start
scs
__scs_entry_jumppad:
0x0: {  	(pc) =	sbr.rel $0x88, $3  }
0x1: {  	(tag) =	ssettag $0x0;
	lr =	simm.s32 $0x1  }
0x2: {  	[smem:$0x3F96] =	sst lr;
	_ =	strace $0xD0000000  }
0x3: {  	_ = 	snop  }
0x4: {  	_ = 	snop  }
0x5: {  	_ = 	snop  }
0x6: {  	_ = 	snop  }
0x7: {  	_ = 	snop  }
__scs_overlays_trampoline_lowered:
0x8: {  	[smem:$0x3FA5] =	sst s0  }
0x9: {  	[smem:$0x3FA6] =	sst s1  }
0xa: {  	[smem:$0x3FA7] =	sst s2  }
0xb: {  	[smem:$0x3FA8] =	sst s3  }
0xc: {  	[smem:$0x3FA9] =	sst s4  }
0xd: {  	[smem:$0x3FAA] =	sst s5  }
0xe: {  	[smem:$0x3FAB] =	sst s6  }
0xf: {  	[smem:$0x3FAC] =	sst s7  }
0x10: {  	[smem:$0x3FAD] =	sst s8  }
0x11: {  	[smem:$0x3FAE] =	sst s9;
	s0 =	simm.s32 @!p0 $0x0  }
0x12: {  	s1 =	sld [smem:$0x3F94];
	s0 =	simm.s32 @p0 $0x1  }
0x13: {  	[smem:$0x3FAF] =	sst s0;
	s0 =	simm.s32 @!p1 $0x0  }
0x14: {  	s2 =	sld [smem:$0x3F93];
	s0 =	simm.s32 @p1 $0x1  }
0x15: {  	[smem:$0x3FB0] =	sst s0;
	s0 =	simm.s32 @!p2 $0x0  }
0x16: {  	s3 =	sld [smem:$0x3FDB];
	s0 =	simm.s32 @p2 $0x1  }
0x17: {  	s4 =	simm.s32 $0x1BF5;
	[smem:$0x3FB2] =	sst s0  }
0x18: {  	s0 =	sld [smem:$0x3F95];
	_ =	swait.ge [sflag:s4], $0x0  }
0x19: {  	s7 =	sld [smem:$0x3F96]  }
0x1a: {  	s8 =	sadd.s32 $0xFFFFE003, lr  }
0x1b: {  	s9 =	sadd.s32 $0xFFFFFEF7, lr;
	s5 =	simm.s32 $0xFFFFFFFF;
	p2 =	slt.u32 s8, $0xFFFFF086  }
0x1c: {  	p1 =	slt.u32 s9, $0xF7A;
	s5 =	simm.s32 @!p2 $0x0  }
0x1d: {  	s5 =	simm.s32 @p1 $0x1;
	p0 =	seq.s32 s7, s2  }
0x1e: {  	s7 =	smul.u32 @!p0 $0xF7A, s2;
	p2 =	seq.s32 @!p0 s5, $0x0  }
0x1f: {  	s9 =	smul.u32 $0xF7A, s1;
	s8 =	simm.s32 @!p0 $0x1BF5;
	p2 =	por !p2, p0  }
0x20: {  	[sflag:s8] =	ssyncset.s32 @!p0 $0xFFFFF086;
	s6 =	sadd.s32 @!p0 s3, s7;
	s7 =	simm.s32 @!p0 $0x108  }
0x21: {  	s3 =	sadd.s32 s3, s9;
	s6 =	sadd.s32 @!p0 $0x88, s6;
	s7 =	simm.s32 @p2 $0x1082  }
0x22: {  	[simem:s7], [sflag:s8] =	dma.local @!p0 [hbm:s6], $0xF7A  }
0x23: {  	s9 =	sor.u32 $0xD0000000, s2;
	s6 =	simm.s32 $0x108;
	_ =	swait.ge @!p0 [sflag:s8], $0x0  }
0x24: {  	s3 =	sadd.s32 $0x88, s3;
	s6 =	simm.s32 @!p1 $0x1082;
	[sflag:s4] =	ssyncset.s32 $0xFFFFF086  }
0x25: {  	[simem:s6], [sflag:s4] =	dma.local [hbm:s3], $0xF7A  }
0x26: {  	[smem:$0x3F96] =	sst s1;
	(tag) =	ssettag s2;
	_ =	strace s9  }
0x27: {  	s1 =	sld [smem:$0x3FA6]  }
0x28: {  	s2 =	sld [smem:$0x3FA7]  }
0x29: {  	s4 =	sld [smem:$0x3FA9]  }
0x2a: {  	p0 =	seq.s32 s5, $0x0;
	s5 =	sld [smem:$0x3FAA]  }
0x2b: {  	s6 =	sld [smem:$0x3FAB]  }
0x2c: {  	s7 =	sld [smem:$0x3FAC]  }
0x2d: {  	s3 =	simm.s32 $0x108;
	s8 =	sld [smem:$0x3FAD]  }
0x2e: {  	s3 =	simm.s32 @!p0 $0x1082;
	s9 =	sld [smem:$0x3FAE]  }
0x2f: {  	lr =	sadd.s32 s0, s3;
	s0 =	sld [smem:$0x3FA5]  }
0x30: {  	s3 =	sld [smem:$0x3FA8]  }
0x31: {  	[smem:$0x3FB1] =	sst s10  }
0x32: {  	s10 =	sld [smem:$0x3FAF];
	_ =	sdelay $0x3  }
0x33: {  	p0 =	seq.s32 s10, $0x1;
	s10 =	sld [smem:$0x3FB1];
	_ =	sdelay $0x3  }
0x34: {  	[smem:$0x3FB1] =	sst s10  }
0x35: {  	s10 =	sld [smem:$0x3FB0];
	_ =	sdelay $0x3  }
0x36: {  	p1 =	seq.s32 s10, $0x1;
	s10 =	sld [smem:$0x3FB1];
	_ =	sdelay $0x3  }
0x37: {  	[smem:$0x3FB1] =	sst s10  }
0x38: {  	s10 =	sld [smem:$0x3FB2]  }
0x39: {  	_ = 	snop;
	(pc) =	sbr.ind lr, $3  }
0x3a: {  	_ = 	snop  }
0x3b: {  	_ = 	snop  }
0x3c: {  	p2 =	seq.s32 s10, $0x1;
	s10 =	sld [smem:$0x3FB1]  }
0x3d: {  	_ =	shalt  }
0x3e: {  	_ =	shalt  }
0x3f: {  	_ =	shalt  }
0x40: {  	_ =	shalt  }
0x41: {  	_ =	shalt  }
0x42: {  	_ =	shalt  }
0x43: {  	_ =	shalt  }
0x44: {  	_ =	shalt  }
0x45: {  	_ =	shalt  }
0x46: {  	_ =	shalt  }
0x47: {  	_ =	shalt  }
0x48: {  	_ =	shalt  }
0x49: {  	_ =	shalt  }
0x4a: {  	_ =	shalt  }
0x4b: {  	_ =	shalt  }
0x4c: {  	_ =	shalt  }
0x4d: {  	_ =	shalt  }
0x4e: {  	_ =	shalt  }
0x4f: {  	_ =	shalt  }
0x50: {  	_ =	shalt  }
0x51: {  	_ =	shalt  }
0x52: {  	_ =	shalt  }
0x53: {  	_ =	shalt  }
0x54: {  	_ =	shalt  }
0x55: {  	_ =	shalt  }
0x56: {  	_ =	shalt  }
0x57: {  	_ =	shalt  }
0x58: {  	_ =	shalt  }
0x59: {  	_ =	shalt  }
0x5a: {  	_ =	shalt  }
0x5b: {  	_ =	shalt  }
0x5c: {  	_ =	shalt  }
0x5d: {  	_ =	shalt  }
0x5e: {  	_ =	shalt  }
0x5f: {  	_ =	shalt  }
0x60: {  	_ =	shalt  }
0x61: {  	_ =	shalt  }
0x62: {  	_ =	shalt  }
0x63: {  	_ =	shalt  }
0x64: {  	_ =	shalt  }
0x65: {  	_ =	shalt  }
0x66: {  	_ =	shalt  }
0x67: {  	_ =	shalt  }
0x68: {  	_ =	shalt  }
0x69: {  	_ =	shalt  }
0x6a: {  	_ =	shalt  }
0x6b: {  	_ =	shalt  }
0x6c: {  	_ =	shalt  }
0x6d: {  	_ =	shalt  }
0x6e: {  	_ =	shalt  }
0x6f: {  	_ =	shalt  }
0x70: {  	_ =	shalt  }
0x71: {  	_ =	shalt  }
0x72: {  	_ =	shalt  }
0x73: {  	_ =	shalt  }
0x74: {  	_ =	shalt  }
0x75: {  	_ =	shalt  }
0x76: {  	_ =	shalt  }
0x77: {  	_ =	shalt  }
0x78: {  	_ =	shalt  }
0x79: {  	_ =	shalt  }
0x7a: {  	_ =	shalt  }
0x7b: {  	_ =	shalt  }
0x7c: {  	_ =	shalt  }
0x7d: {  	_ =	shalt  }
0x7e: {  	_ =	shalt  }
0x7f: {  	_ =	shalt  }
0x80: {  	_ =	shalt  }
0x81: {  	_ =	shalt  }
0x82: {  	_ =	shalt  }
0x83: {  	_ =	shalt  }
0x84: {  	_ =	shalt  }
0x85: {  	_ =	shalt  }
0x86: {  	_ =	shalt  }
0x87: {  	_ =	shalt  }
.Lfunc_end0:
.L_simem_size_0:
called_computation_lowered:
.L_overlay_start_0:
0x88: {  	s2 =	sld [smem:$0x3FD9]  }
0x89: {  	s3 =	sld [smem:$0x3FFE];
	_ =	sdelay $0x1  }
0x8a: {  	s1 =	srdreg.scid  }
0x8b: {  	s0 =	sand.u32 $0x1, s1  }
0x8c: {  	s17 =	sshll.u32 s0, $0xA;
	s2 =	sadd.s32 s3, s2  }
0x8d: {  	s2 =	sadd.s32 s2, s17  }
0x8e: {  	[smem:$0x3FBD] =	sst s2  }
0x8f: {  	_ = 	snop  }
0x90: {  	s2 =	sld [smem:$0x3FD0];
	(tm) =	ssettm $0x1  }
0x91: {  	s18 =	sld [smem:$0x3FFB];
	_ =	sdelay $0x3  }
0x92: {  	_ =	strace s18  }
0x93: {  	s3 =	sld [smem:$0x3FFC];
	_ =	sdelay $0x3  }
0x94: {  	_ =	strace s3  }
0x95: {  	s3 =	sld [smem:$0x3FFD];
	_ =	sdelay $0x3  }
0x96: {  	_ =	strace s3  }
0x97: {  	_ =	strace $0x8FFFFFFF  }
0x98: {  	s19 =	sld [smem:$0x3FDB];
	_ =	sdelay $0x1  }
0x99: {  	s4 =	simm.s32 $_scs_section_size  }
0x9a: {  	s5 =	simm.s32 $_size__tile_overlayer_lowered;
	s6 =	simm.s32 $_tile_overlayer_lowered  }
0x9b: {  	s22 =	simm.s32 $0x1BFF;
	s21 =	sshll.u32 s6, $0x1;
	s3 =	sadd.s32 s4, s19  }
0x9c: {  	s7 =	simm.s32 $0x0;
	s20 =	sshll.u32 s5, $0x1;
	s5 =	sadd.s32 s21, s3  }
0x9d: {  	[timem:s7], [sflag:s22] =	dma.local [hbm:s5], s20  }
0x9e: {  	_ =	swait.ge [sflag:s22], s20  }
0x9f: {  	s4 =	ssub.s32 $0x0, s20;
	[sflag:s22] =	ssyncset.done $0x0  }
0xa0: {  	[sflag:s22] =	ssyncadd.s32 s4;
	_ =	sdelay $0x1  }
0xa1: {  	s23 =	simm.s32 $0x1B8B  }
0xa2: {  	_ =	swait.ge [sflag:s23], $0x1  }
0xa3: {  	[sflag:s23] =	ssyncset.done $0x0  }
0xa4: {  	s25 =	simm.s32 $0x1B8E;
	s24 =	sld [smem:$0x3FFE];
	[sflag:s23] =	ssyncadd.s32 $0xFFFFFFFF  }
0xa5: {  	s26 =	simm.s32 $execute0_lowered;
	[smem:$0x3FD2] =	sst s25  }
0xa6: {  	s5 =	sshll.u32 s26, $0x1;
	_ =	strace $0x80000046;
	[dreg:$0x1] =	wrdreg $0xFFFFFFFF  }
0xa7: {  	s28 =	simm.s32 $_size_execute0_lowered;
	s3 =	sadd.s32 s3, s5;
	[dreg:$0x0] =	wrdreg $0x0  }
0xa8: {  	s5 =	sshll.u32 s28, $0x1;
	[dreg:$0x2] =	wrdreg s3  }
0xa9: {  	[dreg:$0x3] =	wrdreg s5  }
0xaa: {  	[dreg:$0x4] =	wrdreg $0xC0  }
0xab: {  	_ =	task [dreg:s7], $0x5FFFF  }
0xac: {  	[dreg:$0x1] =	wrdreg $0xFFFFFFFF  }
0xad: {  	[dreg:$0x0] =	wrdreg $0x60  }
0xae: {  	[dreg:$0x2] =	wrdreg s2  }
0xaf: {  	[dreg:$0x3] =	wrdreg s24  }
0xb0: {  	[dreg:$0x4] =	wrdreg $0x9  }
0xb1: {  	_ =	task.clear_ibuf [dreg:s7], $0x5FFFF;
	_ =	strace $0x90000046  }
0xb2: {  	s29 =	simm.s32 $0x9;
	_ =	strace $0x80000048  }
0xb3: {  	_ =	swait.ge [sflag:s29], $0x1  }
0xb4: {  	[sflag:s29] =	ssyncadd.s32 $0xFFFFFFFF  }
0xb5: {  	_ =	strace $0x90000048  }
0xb6: {  	_ =	sfence  }
0xb7: {  	s30 =	sld [smem:$0x0];
	_ =	sdelay $0x2  }
0xb8: {  	s31 =	sshll.u32 s1, $0xD;
	s1 =	sshrl.u32 s1, $0x2  }
0xb9: {  	s3 =	sand.u32 $0x4000, s31;
	s1 =	sadd.s32 s1, s30  }
0xba: {  	s0 =	sor.u32 s3, s0;
	s1 =	sshll.u32 s1, $0x11  }
0xbb: {  	s0 =	sor.u32 s1, s0  }
0xbc: {  	s0 =	sadd.s32 $0x8F2B, s0  }
0xbd: {  	[sflag:s0] =	ssyncadd.remote.s32 $0x1  }
0xbe: {  	_ =	sfence.sel $0xFFFF  }
0xbf: {  	[dreg:$0x0] =	wrdreg $0xFFFFFFFF;
	(pc) =	sbr.abs _section_cstart, $3  }
0xc0: {  	[dreg:$0x1] =	wrdreg $0xFFFFFFFF  }
0xc1: {  	_ =	task.clear_ibuf [dreg:s7], $0x2FFFF;
	_ =	strace $0x9FFFFFFF  }
0xc2: {  	(tm) =	ssettm $0x7FFFFFFF  }
0xc3: {  	_ =	shalt  }
tec
execute0_lowered:
.L_overlay_start_1:
0x0: {  	(tag) =	ssettag $0x1  }
0x1: {  	s1 =	srdreg.scid;
	s0 =	stileid.u32  }
0x2: {  	s1 =	sand.u32 $0x1, s1;
	s3 =	smul.u32 $0x2800, s0  }
0x3: {  	s4 =	smul.u32 $0x1400, s1  }
0x4: {  	s2 =	rddreg [dreg:$0x0]  }
0x5: {  	s5 =	rddreg [dreg:$0x1];
	s4 =	sadd.s32 s4, s3;
	s3 =	simm.s32 $0x0  }
0x6: {  	s11 =	simm.s32 $0x80;
	[smem:$0x7FF] =	sst s3  }
0x7: {  	s12 =	simm.s32 $0x900;
	_ =	strace $0x80000047;
	[dreg:$0x5] =	wrdreg s11  }
0x8: {  	s13 =	simm.s32 $0x1100;
	[dreg:$0x6] =	wrdreg s12  }
0x9: {  	s14 =	simm.s32 $0x1900;
	[dreg:$0x7] =	wrdreg s13  }
0xa: {  	s7 =	simm.s32 $0x2100;
	[dreg:$0x8] =	wrdreg s14  }
0xb: {  	s16 =	simm.s32 $0x2900;
	[dreg:$0x9] =	wrdreg s7  }
0xc: {  	s17 =	simm.s32 $0x3100;
	s19 =	simm.s32 $0x3900;
	[dreg:$0xa] =	wrdreg s16  }
0xd: {  	s20 =	simm.s32 $0x4100;
	s21 =	simm.s32 $0x4900;
	[dreg:$0xb] =	wrdreg s17  }
0xe: {  	s22 =	simm.s32 $0x5100;
	s24 =	simm.s32 $0x5900;
	[dreg:$0xc] =	wrdreg s19  }
0xf: {  	s25 =	simm.s32 $0x6100;
	s26 =	simm.s32 $0x6900;
	[dreg:$0xd] =	wrdreg s20  }
0x10: {  	s30 =	simm.s32 $0x7100;
	s31 =	simm.s32 $0x7900;
	[dreg:$0xe] =	wrdreg s21  }
0x11: {  	s9 =	simm.s32 $0x100;
	s10 =	simm.s32 $0x8100;
	[dreg:$0xf] =	wrdreg s22  }
0x12: {  	s28 =	simm.s32 $0x2;
	s29 =	simm.s32 $0x0;
	[dreg:$0x10] =	wrdreg s24  }
0x13: {  	s15 =	smul.u32 $0x50000, s0;
	s18 =	ssub.s32 $0x2, s1;
	[dreg:$0x11] =	wrdreg s25  }
0x14: {  	s1 =	smul.u32 $0x28000, s1;
	s4 =	sshrl.u32 s4, $0x3;
	[dreg:$0x12] =	wrdreg s26  }
0x15: {  	s8 =	sshrl.u32 s18, $0x1;
	s4 =	sadd.s32 s4, s5;
	[dreg:$0x13] =	wrdreg s30  }
0x16: {  	s7 =	ssub.s32 s18, s8;
	s8 =	simm.s32 $0x3;
	[dreg:$0x14] =	wrdreg s31  }
0x17: {  	s11 =	simm.s32 $0x8900;
	s12 =	simm.s32 $0x9100;
	s13 =	simm.s32 $0x9900  }
0x18: {  	s14 =	simm.s32 $0xA100;
	s16 =	simm.s32 $0xB100;
	s17 =	simm.s32 $0xB900  }
0x19: {  	s18 =	simm.s32 $0xC100;
	s19 =	simm.s32 $0xC900;
	s20 =	simm.s32 $0xD100  }
0x1a: {  	s21 =	simm.s32 $0xD900;
	s22 =	simm.s32 $0xE100;
	s24 =	simm.s32 $0xF100  }
0x1b: {  	s25 =	simm.s32 $0xF900;
	s26 =	simm.s32 $0x1;
	s6 =	sadd.s32 $0x7C00, s4  }
0x1c: {  	s4 =	sadd.s32 $0x2C00, s4;
	s23 =	smax.u32 s7, $0x1;
	[dreg:$0x3] =	wrdreg s6  }
0x1d: {  	v2 =	vlaneseq.u32;
	[dreg:$0x4] =	wrdreg s4;
	s4 =	sadd.s32 $0xCC00, s5;
	s6 =	sadd.s32 s15, s5  }
0x1e: {  	vm0 =	vmmov $0xffff;
	v1 =	vshrl.u32 v2, $0x3;
	[dreg:$0x15] =	wrdreg s23;
	s15 =	simm.s32 $0xA900;
	s1 =	sadd.s32 s1, s6  }
0x1f: {  	v0 =	vand.u32 $0x7, v2;
	v2 =	vor.u32 $0x8, v2;
	v1 =	vmul.u32 $0x8, v1;
	s23 =	simm.s32 $0xE900;
	s6 =	sadd.s32 $0x5AE00, s1;
	s7 =	sadd.s32 $0x55AE00, s1  }
.LBB2_1:
0x20: {  	s30 =	smov.u32 s7;
	s31 =	smov.u32 s6;
	s1 =	simm.s32 $0x0  }
.LBB2_2:
0x21: {  	s0 =	rddreg [dreg:$0x4]  }
0x22: {  	s0 =	sadd.s32 s1, s0  }
0x23: {  	[tilespmem:s3], [sflag:$0x3] =	stream.linear.gather [hbm4b:s0+s3], $0x80, $0x38;
	[tilespmem:$0x10100] =	vst v63  }
0x24: {  	_ =	swait.ge [sflag:s8], $0x80  }
0x25: {  	s0 =	rddreg [dreg:$0x3];
	[sflag:s8] =	ssyncset.done $0x0  }
0x26: {  	s5 =	rddreg [dreg:$0x5];
	[sflag:s8] =	ssyncadd.s32 $0xFFFFFF80;
	s0 =	sadd.s32 s1, s0  }
0x27: {  	[tilespmem:s5], [sflag:$0x3] =	stream.linear.gather [hbm4b:s0+s3], $0x80, $0x38;
	[tilespmem:$0x10100] =	vst v63  }
0x28: {  	_ =	swait.ge [sflag:s8], $0x80  }
0x29: {  	[sflag:s8] =	ssyncset.done $0x0  }
0x2a: {  	[sflag:s8] =	ssyncadd.s32 $0xFFFFFF80  }
0x2b: {  	v3 =	vld [tilespmem:$0x0];
	_ =	sdelay $0x4  }
0x2c: {  	v4 =	vshll.u32 v3, $0x1  }
0x2d: {  	v3 =	vand.u32 $0x7, v3;
	v4 =	vand.u32 $0xFFFFFFF0, v4  }
0x2e: {  	v3 =	vor.u32 v3, v4  }
0x2f: {  	v4 =	vperm.xlane v3, v0;
	_ =	sdelay $0x1  }
0x30: {  	v3 =	vperm.xlane v3, v2;
	v4 =	vadd.s32 v1, v4;
	_ =	sdelay $0x1  }
0x31: {  	v3 =	vadd.s32 v1, v3;
	_ =	sdelay $0x2  }
0x32: {  	[tilespmem:s9], [sflag:$0x1] =	stream.indirect_vreg.gather [hbm4b:s2+s3], $0x80, v4, vm0, $0xb8;
	[tilespmem:$0x10100] =	vst v63  }
0x33: {  	s5 =	rddreg [dreg:$0x6]  }
0x34: {  	[tilespmem:s5], [sflag:$0x1] =	stream.indirect_vreg.gather [hbm4b:s2+s3], $0x80, v3, vm0, $0xb8;
	[tilespmem:$0x10100] =	vst v63  }
0x35: {  	v3 =	vld [tilespmem:$0x10];
	_ =	sdelay $0x4  }
0x36: {  	v49 =	vshll.u32 v3, $0x1  }
0x37: {  	v3 =	vand.u32 $0x7, v3;
	v4 =	vand.u32 $0xFFFFFFF0, v49  }
0x38: {  	v3 =	vor.u32 v3, v4  }
0x39: {  	v4 =	vperm.xlane v3, v0;
	_ =	sdelay $0x1  }
0x3a: {  	v3 =	vperm.xlane v3, v2;
	v4 =	vadd.s32 v1, v4;
	_ =	sdelay $0x1  }
0x3b: {  	v3 =	vadd.s32 v1, v3;
	_ =	sdelay $0x1  }
0x3c: {  	s0 =	rddreg [dreg:$0x7]  }
0x3d: {  	[tilespmem:s0], [sflag:$0x1] =	stream.indirect_vreg.gather [hbm4b:s2+s3], $0x80, v4, vm0, $0xb8;
	[tilespmem:$0x10100] =	vst v63  }
0x3e: {  	s5 =	rddreg [dreg:$0x8]  }
0x3f: {  	[tilespmem:s5], [sflag:$0x1] =	stream.indirect_vreg.gather [hbm4b:s2+s3], $0x80, v3, vm0, $0xb8;
	[tilespmem:$0x10100] =	vst v63  }
0x40: {  	v3 =	vld [tilespmem:$0x20];
	_ =	sdelay $0x4  }
0x41: {  	v50 =	vshll.u32 v3, $0x1  }
0x42: {  	v3 =	vand.u32 $0x7, v3;
	v4 =	vand.u32 $0xFFFFFFF0, v50  }
0x43: {  	v3 =	vor.u32 v3, v4  }
0x44: {  	v4 =	vperm.xlane v3, v0;
	_ =	sdelay $0x1  }
0x45: {  	v3 =	vperm.xlane v3, v2;
	v4 =	vadd.s32 v1, v4;
	_ =	sdelay $0x1  }
0x46: {  	v3 =	vadd.s32 v1, v3;
	_ =	sdelay $0x1  }
0x47: {  	s0 =	rddreg [dreg:$0x9]  }
0x48: {  	[tilespmem:s0], [sflag:$0x1] =	stream.indirect_vreg.gather [hbm4b:s2+s3], $0x80, v4, vm0, $0xb8;
	[tilespmem:$0x10100] =	vst v63  }
0x49: {  	s5 =	rddreg [dreg:$0xa]  }
0x4a: {  	[tilespmem:s5], [sflag:$0x1] =	stream.indirect_vreg.gather [hbm4b:s2+s3], $0x80, v3, vm0, $0xb8;
	[tilespmem:$0x10100] =	vst v63  }
0x4b: {  	v3 =	vld [tilespmem:$0x30];
	_ =	sdelay $0x4  }
0x4c: {  	v51 =	vshll.u32 v3, $0x1  }
0x4d: {  	v3 =	vand.u32 $0x7, v3;
	v4 =	vand.u32 $0xFFFFFFF0, v51  }
0x4e: {  	v3 =	vor.u32 v3, v4  }
0x4f: {  	v4 =	vperm.xlane v3, v0;
	_ =	sdelay $0x1  }
0x50: {  	v3 =	vperm.xlane v3, v2;
	v4 =	vadd.s32 v1, v4;
	_ =	sdelay $0x1  }
0x51: {  	v3 =	vadd.s32 v1, v3;
	_ =	sdelay $0x1  }
0x52: {  	s0 =	rddreg [dreg:$0xb]  }
0x53: {  	[tilespmem:s0], [sflag:$0x1] =	stream.indirect_vreg.gather [hbm4b:s2+s3], $0x80, v4, vm0, $0xb8;
	[tilespmem:$0x10100] =	vst v63  }
0x54: {  	s5 =	rddreg [dreg:$0xc]  }
0x55: {  	[tilespmem:s5], [sflag:$0x1] =	stream.indirect_vreg.gather [hbm4b:s2+s3], $0x80, v3, vm0, $0xb8;
	[tilespmem:$0x10100] =	vst v63  }
0x56: {  	v3 =	vld [tilespmem:$0x40];
	_ =	sdelay $0x4  }
0x57: {  	v52 =	vshll.u32 v3, $0x1  }
0x58: {  	v3 =	vand.u32 $0x7, v3;
	v4 =	vand.u32 $0xFFFFFFF0, v52  }
0x59: {  	v3 =	vor.u32 v3, v4  }
0x5a: {  	v4 =	vperm.xlane v3, v0;
	_ =	sdelay $0x1  }
0x5b: {  	v3 =	vperm.xlane v3, v2;
	v4 =	vadd.s32 v1, v4;
	_ =	sdelay $0x1  }
0x5c: {  	v3 =	vadd.s32 v1, v3;
	_ =	sdelay $0x1  }
0x5d: {  	s0 =	rddreg [dreg:$0xd]  }
0x5e: {  	[tilespmem:s0], [sflag:$0x1] =	stream.indirect_vreg.gather [hbm4b:s2+s3], $0x80, v4, vm0, $0xb8;
	[tilespmem:$0x10100] =	vst v63  }
0x5f: {  	s5 =	rddreg [dreg:$0xe]  }
0x60: {  	[tilespmem:s5], [sflag:$0x1] =	stream.indirect_vreg.gather [hbm4b:s2+s3], $0x80, v3, vm0, $0xb8;
	[tilespmem:$0x10100] =	vst v63  }
0x61: {  	v3 =	vld [tilespmem:$0x50];
	_ =	sdelay $0x4  }
0x62: {  	v53 =	vshll.u32 v3, $0x1  }
0x63: {  	v3 =	vand.u32 $0x7, v3;
	v4 =	vand.u32 $0xFFFFFFF0, v53  }
0x64: {  	v3 =	vor.u32 v3, v4  }
0x65: {  	v4 =	vperm.xlane v3, v0;
	_ =	sdelay $0x1  }
0x66: {  	v3 =	vperm.xlane v3, v2;
	v4 =	vadd.s32 v1, v4;
	_ =	sdelay $0x1  }
0x67: {  	v3 =	vadd.s32 v1, v3;
	_ =	sdelay $0x1  }
0x68: {  	s0 =	rddreg [dreg:$0xf]  }
0x69: {  	[tilespmem:s0], [sflag:$0x1] =	stream.indirect_vreg.gather [hbm4b:s2+s3], $0x80, v4, vm0, $0xb8;
	[tilespmem:$0x10100] =	vst v63  }
0x6a: {  	s5 =	rddreg [dreg:$0x10]  }
0x6b: {  	[tilespmem:s5], [sflag:$0x1] =	stream.indirect_vreg.gather [hbm4b:s2+s3], $0x80, v3, vm0, $0xb8;
	[tilespmem:$0x10100] =	vst v63  }
0x6c: {  	v3 =	vld [tilespmem:$0x60];
	_ =	sdelay $0x4  }
0x6d: {  	v54 =	vshll.u32 v3, $0x1  }
0x6e: {  	v3 =	vand.u32 $0x7, v3;
	v4 =	vand.u32 $0xFFFFFFF0, v54  }
0x6f: {  	v3 =	vor.u32 v3, v4  }
0x70: {  	v4 =	vperm.xlane v3, v0;
	_ =	sdelay $0x1  }
0x71: {  	v3 =	vperm.xlane v3, v2;
	v4 =	vadd.s32 v1, v4;
	_ =	sdelay $0x1  }
0x72: {  	v3 =	vadd.s32 v1, v3;
	_ =	sdelay $0x1  }
0x73: {  	s0 =	rddreg [dreg:$0x11]  }
0x74: {  	[tilespmem:s0], [sflag:$0x1] =	stream.indirect_vreg.gather [hbm4b:s2+s3], $0x80, v4, vm0, $0xb8;
	[tilespmem:$0x10100] =	vst v63  }
0x75: {  	s5 =	rddreg [dreg:$0x12]  }
0x76: {  	[tilespmem:s5], [sflag:$0x1] =	stream.indirect_vreg.gather [hbm4b:s2+s3], $0x80, v3, vm0, $0xb8;
	[tilespmem:$0x10100] =	vst v63  }
0x77: {  	v3 =	vld [tilespmem:$0x70];
	_ =	sdelay $0x4  }
0x78: {  	v55 =	vshll.u32 v3, $0x1  }
0x79: {  	v3 =	vand.u32 $0x7, v3;
	v4 =	vand.u32 $0xFFFFFFF0, v55  }
0x7a: {  	v3 =	vor.u32 v3, v4  }
0x7b: {  	v4 =	vperm.xlane v3, v0;
	_ =	sdelay $0x1  }
0x7c: {  	v3 =	vperm.xlane v3, v2;
	v4 =	vadd.s32 v1, v4;
	_ =	sdelay $0x1  }
0x7d: {  	v3 =	vadd.s32 v1, v3;
	_ =	sdelay $0x1  }
0x7e: {  	s0 =	rddreg [dreg:$0x13]  }
0x7f: {  	[tilespmem:s0], [sflag:$0x1] =	stream.indirect_vreg.gather [hbm4b:s2+s3], $0x80, v4, vm0, $0xb8;
	[tilespmem:$0x10100] =	vst v63  }
0x80: {  	s5 =	rddreg [dreg:$0x14]  }
0x81: {  	[tilespmem:s5], [sflag:$0x1] =	stream.indirect_vreg.gather [hbm4b:s2+s3], $0x80, v3, vm0, $0xb8;
	[tilespmem:$0x10100] =	vst v63  }
0x82: {  	v3 =	vld [tilespmem:$0x80];
	_ =	sdelay $0x4  }
0x83: {  	v56 =	vshll.u32 v3, $0x1  }
0x84: {  	v3 =	vand.u32 $0x7, v3;
	v4 =	vand.u32 $0xFFFFFFF0, v56  }
0x85: {  	v3 =	vor.u32 v3, v4  }
0x86: {  	v4 =	vperm.xlane v3, v0;
	_ =	sdelay $0x1  }
0x87: {  	v3 =	vperm.xlane v3, v2;
	v4 =	vadd.s32 v1, v4;
	_ =	sdelay $0x1  }
0x88: {  	v3 =	vadd.s32 v1, v3;
	_ =	sdelay $0x2  }
0x89: {  	[tilespmem:s10], [sflag:$0x2] =	stream.indirect_vreg.gather [hbm4b:s4+s3], $0x80, v4, vm0, $0xb8;
	[tilespmem:$0x10100] =	vst v63  }
0x8a: {  	_ = 	snop  }
0x8b: {  	[tilespmem:s11], [sflag:$0x2] =	stream.indirect_vreg.gather [hbm4b:s4+s3], $0x80, v3, vm0, $0xb8;
	[tilespmem:$0x10100] =	vst v63  }
0x8c: {  	v3 =	vld [tilespmem:$0x90];
	_ =	sdelay $0x4  }
0x8d: {  	v57 =	vshll.u32 v3, $0x1  }
0x8e: {  	v3 =	vand.u32 $0x7, v3;
	v4 =	vand.u32 $0xFFFFFFF0, v57  }
0x8f: {  	v3 =	vor.u32 v3, v4  }
0x90: {  	v4 =	vperm.xlane v3, v0;
	_ =	sdelay $0x1  }
0x91: {  	v3 =	vperm.xlane v3, v2;
	v4 =	vadd.s32 v1, v4;
	_ =	sdelay $0x1  }
0x92: {  	v3 =	vadd.s32 v1, v3;
	_ =	sdelay $0x2  }
0x93: {  	[tilespmem:s12], [sflag:$0x2] =	stream.indirect_vreg.gather [hbm4b:s4+s3], $0x80, v4, vm0, $0xb8;
	[tilespmem:$0x10100] =	vst v63  }
0x94: {  	_ = 	snop  }
0x95: {  	[tilespmem:s13], [sflag:$0x2] =	stream.indirect_vreg.gather [hbm4b:s4+s3], $0x80, v3, vm0, $0xb8;
	[tilespmem:$0x10100] =	vst v63  }
0x96: {  	v3 =	vld [tilespmem:$0xA0];
	_ =	sdelay $0x4  }
0x97: {  	v58 =	vshll.u32 v3, $0x1  }
0x98: {  	v3 =	vand.u32 $0x7, v3;
	v4 =	vand.u32 $0xFFFFFFF0, v58  }
0x99: {  	v3 =	vor.u32 v3, v4  }
0x9a: {  	v4 =	vperm.xlane v3, v0;
	_ =	sdelay $0x1  }
0x9b: {  	v3 =	vperm.xlane v3, v2;
	v4 =	vadd.s32 v1, v4;
	_ =	sdelay $0x1  }
0x9c: {  	v3 =	vadd.s32 v1, v3;
	_ =	sdelay $0x2  }
0x9d: {  	[tilespmem:s14], [sflag:$0x2] =	stream.indirect_vreg.gather [hbm4b:s4+s3], $0x80, v4, vm0, $0xb8;
	[tilespmem:$0x10100] =	vst v63  }
0x9e: {  	_ = 	snop  }
0x9f: {  	[tilespmem:s15], [sflag:$0x2] =	stream.indirect_vreg.gather [hbm4b:s4+s3], $0x80, v3, vm0, $0xb8;
	[tilespmem:$0x10100] =	vst v63  }
0xa0: {  	v3 =	vld [tilespmem:$0xB0];
	_ =	sdelay $0x4  }
0xa1: {  	v59 =	vshll.u32 v3, $0x1  }
0xa2: {  	v3 =	vand.u32 $0x7, v3;
	v4 =	vand.u32 $0xFFFFFFF0, v59  }
0xa3: {  	v3 =	vor.u32 v3, v4  }
0xa4: {  	v4 =	vperm.xlane v3, v0;
	_ =	sdelay $0x1  }
0xa5: {  	v3 =	vperm.xlane v3, v2;
	v4 =	vadd.s32 v1, v4;
	_ =	sdelay $0x1  }
0xa6: {  	v3 =	vadd.s32 v1, v3;
	_ =	sdelay $0x2  }
0xa7: {  	[tilespmem:s16], [sflag:$0x2] =	stream.indirect_vreg.gather [hbm4b:s4+s3], $0x80, v4, vm0, $0xb8;
	[tilespmem:$0x10100] =	vst v63  }
0xa8: {  	_ = 	snop  }
0xa9: {  	[tilespmem:s17], [sflag:$0x2] =	stream.indirect_vreg.gather [hbm4b:s4+s3], $0x80, v3, vm0, $0xb8;
	[tilespmem:$0x10100] =	vst v63  }
0xaa: {  	v3 =	vld [tilespmem:$0xC0];
	_ =	sdelay $0x4  }
0xab: {  	v60 =	vshll.u32 v3, $0x1  }
0xac: {  	v3 =	vand.u32 $0x7, v3;
	v4 =	vand.u32 $0xFFFFFFF0, v60  }
0xad: {  	v3 =	vor.u32 v3, v4  }
0xae: {  	v4 =	vperm.xlane v3, v0;
	_ =	sdelay $0x1  }
0xaf: {  	v3 =	vperm.xlane v3, v2;
	v4 =	vadd.s32 v1, v4;
	_ =	sdelay $0x1  }
0xb0: {  	v3 =	vadd.s32 v1, v3;
	_ =	sdelay $0x2  }
0xb1: {  	[tilespmem:s18], [sflag:$0x2] =	stream.indirect_vreg.gather [hbm4b:s4+s3], $0x80, v4, vm0, $0xb8;
	[tilespmem:$0x10100] =	vst v63  }
0xb2: {  	_ = 	snop  }
0xb3: {  	[tilespmem:s19], [sflag:$0x2] =	stream.indirect_vreg.gather [hbm4b:s4+s3], $0x80, v3, vm0, $0xb8;
	[tilespmem:$0x10100] =	vst v63  }
0xb4: {  	v3 =	vld [tilespmem:$0xD0];
	_ =	sdelay $0x4  }
0xb5: {  	v61 =	vshll.u32 v3, $0x1  }
0xb6: {  	v3 =	vand.u32 $0x7, v3;
	v4 =	vand.u32 $0xFFFFFFF0, v61  }
0xb7: {  	v3 =	vor.u32 v3, v4  }
0xb8: {  	v4 =	vperm.xlane v3, v0;
	_ =	sdelay $0x1  }
0xb9: {  	v3 =	vperm.xlane v3, v2;
	v4 =	vadd.s32 v1, v4;
	_ =	sdelay $0x1  }
0xba: {  	v3 =	vadd.s32 v1, v3;
	_ =	sdelay $0x2  }
0xbb: {  	[tilespmem:s20], [sflag:$0x2] =	stream.indirect_vreg.gather [hbm4b:s4+s3], $0x80, v4, vm0, $0xb8;
	[tilespmem:$0x10100] =	vst v63  }
0xbc: {  	_ = 	snop  }
0xbd: {  	[tilespmem:s21], [sflag:$0x2] =	stream.indirect_vreg.gather [hbm4b:s4+s3], $0x80, v3, vm0, $0xb8;
	[tilespmem:$0x10100] =	vst v63  }
0xbe: {  	v3 =	vld [tilespmem:$0xE0];
	_ =	sdelay $0x4  }
0xbf: {  	v62 =	vshll.u32 v3, $0x1  }
0xc0: {  	v3 =	vand.u32 $0x7, v3;
	v4 =	vand.u32 $0xFFFFFFF0, v62  }
0xc1: {  	v3 =	vor.u32 v3, v4  }
0xc2: {  	v4 =	vperm.xlane v3, v0;
	_ =	sdelay $0x1  }
0xc3: {  	v3 =	vperm.xlane v3, v2;
	v4 =	vadd.s32 v1, v4;
	_ =	sdelay $0x1  }
0xc4: {  	v3 =	vadd.s32 v1, v3;
	_ =	sdelay $0x2  }
0xc5: {  	[tilespmem:s22], [sflag:$0x2] =	stream.indirect_vreg.gather [hbm4b:s4+s3], $0x80, v4, vm0, $0xb8;
	[tilespmem:$0x10100] =	vst v63  }
0xc6: {  	_ = 	snop  }
0xc7: {  	[tilespmem:s23], [sflag:$0x2] =	stream.indirect_vreg.gather [hbm4b:s4+s3], $0x80, v3, vm0, $0xb8;
	[tilespmem:$0x10100] =	vst v63  }
0xc8: {  	v3 =	vld [tilespmem:$0xF0];
	_ =	sdelay $0x4  }
0xc9: {  	v63 =	vshll.u32 v3, $0x1  }
0xca: {  	v3 =	vand.u32 $0x7, v3;
	v4 =	vand.u32 $0xFFFFFFF0, v63  }
0xcb: {  	v3 =	vor.u32 v3, v4  }
0xcc: {  	v4 =	vperm.xlane v3, v0;
	_ =	sdelay $0x1  }
0xcd: {  	v3 =	vperm.xlane v3, v2;
	v4 =	vadd.s32 v1, v4;
	_ =	sdelay $0x1  }
0xce: {  	v3 =	vadd.s32 v1, v3;
	_ =	sdelay $0x2  }
0xcf: {  	[tilespmem:s24], [sflag:$0x2] =	stream.indirect_vreg.gather [hbm4b:s4+s3], $0x80, v4, vm0, $0xb8;
	[tilespmem:$0x10100] =	vst v63  }
0xd0: {  	_ = 	snop  }
0xd1: {  	[tilespmem:s25], [sflag:$0x2] =	stream.indirect_vreg.gather [hbm4b:s4+s3], $0x80, v3, vm0, $0xb8;
	[tilespmem:$0x10100] =	vst v63  }
0xd2: {  	_ =	swait.ge [sflag:s26], $0x8000  }
0xd3: {  	[sflag:s26] =	ssyncset.done $0x0  }
0xd4: {  	[sflag:s26] =	ssyncadd.s32 $0xFFFF8000  }
0xd5: {  	[hbm4b:s31+s3] =	stream.linear.scatter [tilespmem:s9], [sflag:$0x3], $0x8000, $0x38;
	[tilespmem:$0x10100] =	vst v63  }
0xd6: {  	_ =	swait.ge [sflag:s8], $0x8000  }
0xd7: {  	[sflag:s8] =	ssyncset.done $0x0  }
0xd8: {  	[sflag:s8] =	ssyncadd.s32 $0xFFFF8000  }
0xd9: {  	_ =	swait.ge [sflag:s28], $0x8000  }
0xda: {  	p0 =	sne.s32 s1, $0x270;
	[sflag:s28] =	ssyncset.done $0x0  }
.Ltmp0:
0xdb: {  	[sflag:s28] =	ssyncadd.s32 $0xFFFF8000;
	(pc) =	sbr.rel @p0 .LBB2_2-.Ltmp0, $4  }
0xdc: {  	[hbm4b:s30+s3] =	stream.linear.scatter [tilespmem:s10], [sflag:$0x3], $0x8000, $0x38;
	[tilespmem:$0x10100] =	vst v63  }
0xdd: {  	_ =	swait.ge [sflag:s8], $0x8000  }
0xde: {  	s1 =	sadd.s32 $0x10, s1;
	[sflag:s8] =	ssyncset.done $0x0  }
0xdf: {  	s31 =	sadd.s32 $0x1000, s31;
	s30 =	sadd.s32 $0x1000, s30;
	[sflag:s8] =	ssyncadd.s32 $0xFFFF8000  }
0xe0: {  	s29 =	sadd.s32 $0x1, s29;
	s0 =	rddreg [dreg:$0x15]  }
0xe1: {  	p0 =	sne.s32 s29, s0  }
.Ltmp1:
0xe2: {  	_ = 	snop;
	(pc) =	sbr.rel @p0 .LBB2_1-.Ltmp1, $1  }
0xe3: {  	_ =	sdelay $0x3  }
0xe4: {  	_ =	sfence.sel $0x180000  }
0xe5: {  	[bflag:$0x0] =	sbarrier.arrive $0xFFFF  }
0xe6: {  	_ =	strace $0x90000047  }
0xe7: {  	s0 =	stileid.u32;
	[bflag:$0x2] =	sbarrier.arrive $0xFFFF  }
0xe8: {  	p0 =	sne.s32 s0, $0x0;
	s0 =	rddreg [dreg:$0x2]  }
0xe9: {  	s0 =	sadd.s32 @!p0 $0x100000, s0  }
0xea: {  	[sflag:s0] =	ssyncadd.tile.s32 @!p0 $0x1;
	_ =	shalt  }
.Lfunc_end2:
_tile_overlayer_lowered:
.L_overlay_start_2:
0xeb: {  	(tag) =	ssettag $0x2  }
0xec: {  	s0 =	rddreg [dreg:$0x0];
	s2 =	stileid.u32  }
0xed: {  	s1 =	rddreg [dreg:$0x1];
	p0 =	sne.s32 s2, $0x0  }
0xee: {  	s3 =	rddreg [dreg:$0x2];
	[bflag:$0x3] =	sbarrier.arrive $0xFFFF;
	s2 =	simm.s32 @!p0 $0x1C03  }
0xef: {  	[timem:s3], [sflag:s2] =	dma.local @!p0 [hbm:s0], s1  }
0xf0: {  	s0 =	simm.s32 @!p0 $0x3  }
0xf1: {  	_ =	swait.ge @!p0 [sflag:s0], s1  }
0xf2: {  	s1 =	ssub.s32 @!p0 $0x0, s1;
	[sflag:s0] =	ssyncset.done @!p0 $0x0  }
0xf3: {  	[sflag:s0] =	ssyncadd.s32 @!p0 s1  }
0xf4: {  	[bflag:$0x3] =	sbarrier.arrive $0xFFFF  }
0xf5: {  	_ =	shalt  }

</sc_bundles>
